<compile_context>
chip_gen: v7x
topology: tpu7x:2x2x1
jax: 0.10.2.dev20260603
libtpu: 0.0.44.dev20260713+nightly
codegen_flags: <defaults>
</compile_context>

<pallas_src>
import functools

import jax
import jax.numpy as jnp
from jax import lax
from jax.experimental import pallas as pl
from jax.experimental.pallas import tpu as pltpu
from jax.experimental.pallas import tpu_sc as plsc

VOCAB = 1024
D = 128
TRAJ_RANGE = 50.0
CHUNK = 128
NBUF = 4
AHEAD = 2
PF = 3


def _prep_kernel(x_ref, y_ref, t_ref, traj_ref, table_ref, idx_ref):
    table_ref[0:VOCAB, :] = x_ref[...] + t_ref[0:1, :]
    table_ref[VOCAB:2 * VOCAB, :] = y_ref[...] + t_ref[1:2, :]
    v = traj_ref[...]
    f = (v + TRAJ_RANGE) * jnp.float32((VOCAB - 1) / (2.0 * TRAJ_RANGE))
    ii = jnp.clip(f.astype(jnp.int32), 0, VOCAB - 1)
    parity = lax.broadcasted_iota(jnp.int32, v.shape, 1) & 1
    idx_ref[...] = ii + parity * VOCAB


def _prep(embed_x_w, embed_y_w, type_embed_w, traj2d):
    return pl.pallas_call(
        _prep_kernel,
        out_shape=(
            jax.ShapeDtypeStruct((2 * VOCAB, D), jnp.float32),
            jax.ShapeDtypeStruct(traj2d.shape, jnp.int32),
        ),
    )(embed_x_w, embed_y_w, type_embed_w, traj2d)


def _sc_gather(idx2d, table, n_rows, n_workers):
    rows_per_worker = n_rows // n_workers
    n_chunks = rows_per_worker // CHUNK
    mesh = plsc.VectorSubcoreMesh(core_axis_name="c", subcore_axis_name="s")

    @functools.partial(
        pl.kernel,
        mesh=mesh,
        out_type=jax.ShapeDtypeStruct((n_rows, D), jnp.float32),
        scratch_types=(
            [pltpu.VMEM((NBUF, CHUNK), jnp.int32),
             pltpu.VMEM_SHARED((2 * VOCAB, D), jnp.float32)]
            + [pltpu.VMEM((CHUNK, D), jnp.float32) for _ in range(NBUF)]
            + [pltpu.SemaphoreType.DMA for _ in range(3 * NBUF)]
        ),
    )
    def k(idx_hbm, table_hbm, out_hbm, idxbuf, spm_table, *bufs_and_sems):
        rows = bufs_and_sems[:NBUF]
        sg = bufs_and_sems[NBUF:2 * NBUF]
        so = bufs_and_sems[2 * NBUF:3 * NBUF]
        si = bufs_and_sems[3 * NBUF:4 * NBUF]
        sid = lax.axis_index("s")
        wid = sid * 2 + lax.axis_index("c")
        base = wid * rows_per_worker
        ibase = wid * n_chunks

        tslice = 2 * VOCAB // 16
        pltpu.sync_copy(table_hbm.at[pl.ds(sid * tslice, tslice)],
                        spm_table.at[pl.ds(sid * tslice, tslice)])
        plsc.subcore_barrier()

        def start_idx(c, slot):
            pltpu.async_copy(idx_hbm.at[ibase + c], idxbuf.at[slot], si[slot])

        def wait_idx(slot):
            pltpu.make_async_copy(
                idx_hbm.at[0], idxbuf.at[slot], si[slot]).wait()

        def start_gather(c, slot):
            pltpu.async_copy(spm_table.at[idxbuf.at[slot]], rows[slot],
                             sg[slot])

        def wait_gather(slot):
            pltpu.make_async_copy(
                spm_table.at[idxbuf.at[slot]], rows[slot], sg[slot]).wait()

        def wait_write(slot):
            pltpu.make_async_copy(
                rows[slot], out_hbm.at[pl.ds(0, CHUNK)], so[slot]).wait()

        for c in range(PF):
            start_idx(c, c % NBUF)
        for c in range(AHEAD):
            wait_idx(c % NBUF)
            start_gather(c, c % NBUF)

        def visit(g, b):
            ci = g * NBUF + b
            tg = ci + AHEAD
            tp = ci + PF
            bg = (b + AHEAD) % NBUF
            bp = (b + PF) % NBUF

            @pl.when(tp < n_chunks)
            def _prefetch_idx():
                start_idx(tp, bp)

            @pl.when(jnp.logical_and(tg >= NBUF, tg < n_chunks))
            def _wait_write_free():
                wait_write(bg)

            @pl.when(jnp.logical_and(tg >= AHEAD, tg < n_chunks))
            def _start_gather():
                wait_idx(bg)
                start_gather(tg, bg)

            wait_gather(b)
            pltpu.async_copy(
                rows[b], out_hbm.at[pl.ds(base + ci * CHUNK, CHUNK)], so[b])

        def body(g, _):
            for b in range(NBUF):
                visit(g, b)
            return ()

        lax.fori_loop(0, n_chunks // NBUF, body, ())
        for ci in range(n_chunks - NBUF, n_chunks):
            wait_write(ci % NBUF)

    return k(idx2d, table)


def kernel(trajectory, embed_x_w, embed_y_w, type_embed_w):
    B, T, _ = trajectory.shape
    n_rows = B * T * 2
    info = plsc.get_sparse_core_info()
    n_workers = info.num_cores * info.num_subcores
    table, idx = _prep(embed_x_w, embed_y_w, type_embed_w,
                       trajectory.reshape(B, 2 * T))
    idx2d = idx.reshape(n_rows // CHUNK, CHUNK)
    out = _sc_gather(idx2d, table, n_rows, n_workers)
    return out.reshape(B, 2 * T, D)

# --- scband reference (transcript-rebuilt; emitter-appended) ---
"""Pipeline reference for scband-trajectory-token-embedding-76759655514668 (READ-ONLY COPY).

The authoritative reference and input builder live on the scoring server;
editing this copy changes nothing except your own understanding.
"""

import jax, jax.numpy as jnp
import numpy as np

VOCAB = 1024
D_AR = 128
TRAJ_RANGE = 50.0
B, T = 4096, 200

def setup_inputs(seed: int = 0) -> dict:
    key = jax.random.key(seed)
    k1, k2, k3, k4 = jax.random.split(key, 4)
    trajectory = jax.random.normal(k1, (B, T, 2), dtype=jnp.float32) * 20.0
    embed_x_w = jax.random.normal(k2, (VOCAB, D_AR), dtype=jnp.float32) * 0.02
    embed_y_w = jax.random.normal(k3, (VOCAB, D_AR), dtype=jnp.float32) * 0.02
    type_embed_w = jax.random.normal(k4, (2, D_AR), dtype=jnp.float32) * 0.02
    return {"trajectory": trajectory, "embed_x_w": embed_x_w, "embed_y_w": embed_y_w, "type_embed_w": type_embed_w}

def reference(trajectory, embed_x_w, embed_y_w, type_embed_w):
    x_idx = (trajectory[..., 0] + TRAJ_RANGE) / (2.0 * TRAJ_RANGE) * (VOCAB - 1)
    y_idx = (trajectory[..., 1] + TRAJ_RANGE) / (2.0 * TRAJ_RANGE) * (VOCAB - 1)
    x_idx = jnp.clip(x_idx.astype(jnp.int32), 0, VOCAB - 1)
    y_idx = jnp.clip(y_idx.astype(jnp.int32), 0, VOCAB - 1)
    emb_x = jnp.take(embed_x_w, x_idx, axis=0) + type_embed_w[0][None, None, :]
    emb_y = jnp.take(embed_y_w, y_idx, axis=0) + type_embed_w[1][None, None, :]
    interleaved = jnp.stack([emb_x, emb_y], axis=2)  # (B, T, 2, D)
    tokens = interleaved.reshape(B, T * 2, D_AR)
    return tokens

if __name__ == "__main__":
    import jax
    _d = setup_inputs()
    print(jax.jit(kernel)(*tuple(_d.values())))

</pallas_src>

<mosaic_0001>
#map = affine_map<(d0, d1) -> (0, 0)>
module attributes {stable_mosaic.version = 14 : i64} {
  func.func @k(%arg0: i32, %arg1: i32, %arg2: memref<12800x128xi32, #tpu.memory_space<hbm>>, %arg3: memref<2048x128xf32, #tpu.memory_space<hbm>>, %arg4: memref<1638400x128xf32, #tpu.memory_space<hbm>>, %arg5: memref<4x128xi32, #tpu.memory_space<vmem>>, %arg6: memref<2048x128xf32, #tpu.memory_space<vmem_shared>>, %arg7: memref<128x128xf32, #tpu.memory_space<vmem>>, %arg8: memref<128x128xf32, #tpu.memory_space<vmem>>, %arg9: memref<128x128xf32, #tpu.memory_space<vmem>>, %arg10: memref<128x128xf32, #tpu.memory_space<vmem>>, %arg11: memref<!tpu.dma_semaphore, #tpu.memory_space<semaphore_mem>>, %arg12: memref<!tpu.dma_semaphore, #tpu.memory_space<semaphore_mem>>, %arg13: memref<!tpu.dma_semaphore, #tpu.memory_space<semaphore_mem>>, %arg14: memref<!tpu.dma_semaphore, #tpu.memory_space<semaphore_mem>>, %arg15: memref<!tpu.dma_semaphore, #tpu.memory_space<semaphore_mem>>, %arg16: memref<!tpu.dma_semaphore, #tpu.memory_space<semaphore_mem>>, %arg17: memref<!tpu.dma_semaphore, #tpu.memory_space<semaphore_mem>>, %arg18: memref<!tpu.dma_semaphore, #tpu.memory_space<semaphore_mem>>, %arg19: memref<!tpu.dma_semaphore, #tpu.memory_space<semaphore_mem>>, %arg20: memref<!tpu.dma_semaphore, #tpu.memory_space<semaphore_mem>>, %arg21: memref<!tpu.dma_semaphore, #tpu.memory_space<semaphore_mem>>, %arg22: memref<!tpu.dma_semaphore, #tpu.memory_space<semaphore_mem>>) attributes {dimension_semantics = [#tpu.dimension_semantics<core_parallel>, #tpu.dimension_semantics<subcore_parallel>], iteration_bounds = array<i64: 2, 16>, scalar_prefetch = 0 : i64, scratch_operands = 18 : i64, tpu.core_type = #tpu.core_type<sc_vector_subcore>, window_params = [{transform_indices = #map}, {transform_indices = #map}, {transform_indices = #map}]} {
    %mul3A = arith.constant 2 : i32
    %mul3A_0 = arith.muli %arg1, %mul3A : i32
    %add3A = arith.addi %mul3A_0, %arg0 : i32
    %mul3A_1 = arith.constant 51200 : i32
    %mul3A_2 = arith.muli %add3A, %mul3A_1 : i32
    %mul3A_3 = arith.constant 400 : i32
    %mul3A_4 = arith.muli %add3A, %mul3A_3 : i32
    %mul3A_5 = arith.constant 128 : i32
    %mul3A_6 = arith.muli %arg1, %mul3A_5 : i32
    %mul3A_7 = arith.constant 128 : i32
    %mul3A_8 = arith.muli %arg1, %mul3A_7 : i32
    "tpu.region"() ({
      %run_scoped3A = tpu.sem_alloc : memref<!tpu.dma_semaphore, #tpu.memory_space<semaphore_mem>>
      %dma_start3A_122 = arith.constant 0 : i32
      %dma_start3A_123 = tpu.memref_slice %arg6[%mul3A_8, %dma_start3A_122] : memref<2048x128xf32, #tpu.memory_space<vmem_shared>> -> memref<128x128xf32, #tpu.memory_space<vmem_shared>>
      %dma_start3A_124 = arith.constant 0 : i32
      %dma_start3A_125 = tpu.memref_slice %arg3[%mul3A_6, %dma_start3A_124] : memref<2048x128xf32, #tpu.memory_space<hbm>> -> memref<128x128xf32, #tpu.memory_space<hbm>>
      tpu.enqueue_dma source(%dma_start3A_125 : memref<128x128xf32, #tpu.memory_space<hbm>>) target(%dma_start3A_123 : memref<128x128xf32, #tpu.memory_space<vmem_shared>>) target_semaphore(%run_scoped3A : memref<!tpu.dma_semaphore, #tpu.memory_space<semaphore_mem>>)
      %dma_wait3A_126 = arith.constant 0 : i32
      %dma_wait3A_127 = tpu.memref_slice %arg6[%mul3A_8, %dma_wait3A_126] : memref<2048x128xf32, #tpu.memory_space<vmem_shared>> -> memref<128x128xf32, #tpu.memory_space<vmem_shared>>
      %dma_wait3A_128 = arith.constant 0 : i32
      %dma_wait3A_129 = tpu.memref_slice %arg3[%mul3A_6, %dma_wait3A_128] : memref<2048x128xf32, #tpu.memory_space<hbm>> -> memref<128x128xf32, #tpu.memory_space<hbm>>
      tpu.wait_dma2 semaphore(%run_scoped3A : memref<!tpu.dma_semaphore, #tpu.memory_space<semaphore_mem>>) src(%dma_wait3A_129 : memref<128x128xf32, #tpu.memory_space<hbm>>) dst(%dma_wait3A_127 : memref<128x128xf32, #tpu.memory_space<vmem_shared>>)
      tpu.yield
    }) : () -> ()
    %barrier3A = arith.constant 0 : index
    tpu.barrier barrier_id(%barrier3A)
    %add3A_9 = arith.constant 0 : i32
    %add3A_10 = arith.addi %mul3A_4, %add3A_9 : i32
    %dma_start3A = arith.constant 0 : i32
    %dma_start3A_11 = arith.constant 0 : i32
    %dma_start3A_12 = tpu.memref_slice %arg5[%dma_start3A, %dma_start3A_11] : memref<4x128xi32, #tpu.memory_space<vmem>> -> memref<1x128xi32, #tpu.memory_space<vmem>>
    %dma_start3A_13 = tpu.memref_squeeze %dma_start3A_12 : memref<1x128xi32, #tpu.memory_space<vmem>> -> memref<128xi32, #tpu.memory_space<vmem>>
    %dma_start3A_14 = arith.constant 0 : i32
    %dma_start3A_15 = tpu.memref_slice %arg2[%add3A_10, %dma_start3A_14] : memref<12800x128xi32, #tpu.memory_space<hbm>> -> memref<1x128xi32, #tpu.memory_space<hbm>>
    %dma_start3A_16 = tpu.memref_squeeze %dma_start3A_15 : memref<1x128xi32, #tpu.memory_space<hbm>> -> memref<128xi32, #tpu.memory_space<hbm>>
    %dma_start3A_17 = arith.constant 0 : i32
    %dma_start3A_18 = tpu.memref_slice %arg5[%dma_start3A, %dma_start3A_17] : memref<4x128xi32, #tpu.memory_space<vmem>> -> memref<1x128xi32, #tpu.memory_space<vmem>>
    %dma_start3A_19 = tpu.memref_squeeze %dma_start3A_18 : memref<1x128xi32, #tpu.memory_space<vmem>> -> memref<128xi32, #tpu.memory_space<vmem>>
    %dma_start3A_20 = arith.constant 0 : i32
    %dma_start3A_21 = tpu.memref_slice %arg2[%add3A_10, %dma_start3A_20] : memref<12800x128xi32, #tpu.memory_space<hbm>> -> memref<1x128xi32, #tpu.memory_space<hbm>>
    %dma_start3A_22 = tpu.memref_squeeze %dma_start3A_21 : memref<1x128xi32, #tpu.memory_space<hbm>> -> memref<128xi32, #tpu.memory_space<hbm>>
    tpu.enqueue_dma source(%dma_start3A_22 : memref<128xi32, #tpu.memory_space<hbm>>) target(%dma_start3A_19 : memref<128xi32, #tpu.memory_space<vmem>>) target_semaphore(%arg19 : memref<!tpu.dma_semaphore, #tpu.memory_space<semaphore_mem>>)
    %add3A_23 = arith.constant 1 : i32
    %add3A_24 = arith.addi %mul3A_4, %add3A_23 : i32
    %dma_start3A_25 = arith.constant 1 : i32
    %dma_start3A_26 = arith.constant 0 : i32
    %dma_start3A_27 = tpu.memref_slice %arg5[%dma_start3A_25, %dma_start3A_26] : memref<4x128xi32, #tpu.memory_space<vmem>> -> memref<1x128xi32, #tpu.memory_space<vmem>>
    %dma_start3A_28 = tpu.memref_squeeze %dma_start3A_27 : memref<1x128xi32, #tpu.memory_space<vmem>> -> memref<128xi32, #tpu.memory_space<vmem>>
    %dma_start3A_29 = arith.constant 0 : i32
    %dma_start3A_30 = tpu.memref_slice %arg2[%add3A_24, %dma_start3A_29] : memref<12800x128xi32, #tpu.memory_space<hbm>> -> memref<1x128xi32, #tpu.memory_space<hbm>>
    %dma_start3A_31 = tpu.memref_squeeze %dma_start3A_30 : memref<1x128xi32, #tpu.memory_space<hbm>> -> memref<128xi32, #tpu.memory_space<hbm>>
    %dma_start3A_32 = arith.constant 0 : i32
    %dma_start3A_33 = tpu.memref_slice %arg5[%dma_start3A_25, %dma_start3A_32] : memref<4x128xi32, #tpu.memory_space<vmem>> -> memref<1x128xi32, #tpu.memory_space<vmem>>
    %dma_start3A_34 = tpu.memref_squeeze %dma_start3A_33 : memref<1x128xi32, #tpu.memory_space<vmem>> -> memref<128xi32, #tpu.memory_space<vmem>>
    %dma_start3A_35 = arith.constant 0 : i32
    %dma_start3A_36 = tpu.memref_slice %arg2[%add3A_24, %dma_start3A_35] : memref<12800x128xi32, #tpu.memory_space<hbm>> -> memref<1x128xi32, #tpu.memory_space<hbm>>
    %dma_start3A_37 = tpu.memref_squeeze %dma_start3A_36 : memref<1x128xi32, #tpu.memory_space<hbm>> -> memref<128xi32, #tpu.memory_space<hbm>>
    tpu.enqueue_dma source(%dma_start3A_37 : memref<128xi32, #tpu.memory_space<hbm>>) target(%dma_start3A_34 : memref<128xi32, #tpu.memory_space<vmem>>) target_semaphore(%arg20 : memref<!tpu.dma_semaphore, #tpu.memory_space<semaphore_mem>>)
    %add3A_38 = arith.constant 2 : i32
    %add3A_39 = arith.addi %mul3A_4, %add3A_38 : i32
    %dma_start3A_40 = arith.constant 2 : i32
    %dma_start3A_41 = arith.constant 0 : i32
    %dma_start3A_42 = tpu.memref_slice %arg5[%dma_start3A_40, %dma_start3A_41] : memref<4x128xi32, #tpu.memory_space<vmem>> -> memref<1x128xi32, #tpu.memory_space<vmem>>
    %dma_start3A_43 = tpu.memref_squeeze %dma_start3A_42 : memref<1x128xi32, #tpu.memory_space<vmem>> -> memref<128xi32, #tpu.memory_space<vmem>>
    %dma_start3A_44 = arith.constant 0 : i32
    %dma_start3A_45 = tpu.memref_slice %arg2[%add3A_39, %dma_start3A_44] : memref<12800x128xi32, #tpu.memory_space<hbm>> -> memref<1x128xi32, #tpu.memory_space<hbm>>
    %dma_start3A_46 = tpu.memref_squeeze %dma_start3A_45 : memref<1x128xi32, #tpu.memory_space<hbm>> -> memref<128xi32, #tpu.memory_space<hbm>>
    %dma_start3A_47 = arith.constant 0 : i32
    %dma_start3A_48 = tpu.memref_slice %arg5[%dma_start3A_40, %dma_start3A_47] : memref<4x128xi32, #tpu.memory_space<vmem>> -> memref<1x128xi32, #tpu.memory_space<vmem>>
    %dma_start3A_49 = tpu.memref_squeeze %dma_start3A_48 : memref<1x128xi32, #tpu.memory_space<vmem>> -> memref<128xi32, #tpu.memory_space<vmem>>
    %dma_start3A_50 = arith.constant 0 : i32
    %dma_start3A_51 = tpu.memref_slice %arg2[%add3A_39, %dma_start3A_50] : memref<12800x128xi32, #tpu.memory_space<hbm>> -> memref<1x128xi32, #tpu.memory_space<hbm>>
    %dma_start3A_52 = tpu.memref_squeeze %dma_start3A_51 : memref<1x128xi32, #tpu.memory_space<hbm>> -> memref<128xi32, #tpu.memory_space<hbm>>
    tpu.enqueue_dma source(%dma_start3A_52 : memref<128xi32, #tpu.memory_space<hbm>>) target(%dma_start3A_49 : memref<128xi32, #tpu.memory_space<vmem>>) target_semaphore(%arg21 : memref<!tpu.dma_semaphore, #tpu.memory_space<semaphore_mem>>)
    %dma_wait3A = arith.constant 0 : i32
    %dma_wait3A_53 = arith.constant 0 : i32
    %dma_wait3A_54 = arith.constant 0 : i32
    %dma_wait3A_55 = tpu.memref_slice %arg5[%dma_wait3A_53, %dma_wait3A_54] : memref<4x128xi32, #tpu.memory_space<vmem>> -> memref<1x128xi32, #tpu.memory_space<vmem>>
    %dma_wait3A_56 = tpu.memref_squeeze %dma_wait3A_55 : memref<1x128xi32, #tpu.memory_space<vmem>> -> memref<128xi32, #tpu.memory_space<vmem>>
    %dma_wait3A_57 = arith.constant 0 : i32
    %dma_wait3A_58 = tpu.memref_slice %arg2[%dma_wait3A, %dma_wait3A_57] : memref<12800x128xi32, #tpu.memory_space<hbm>> -> memref<1x128xi32, #tpu.memory_space<hbm>>
    %dma_wait3A_59 = tpu.memref_squeeze %dma_wait3A_58 : memref<1x128xi32, #tpu.memory_space<hbm>> -> memref<128xi32, #tpu.memory_space<hbm>>
    %dma_wait3A_60 = arith.constant 0 : i32
    %dma_wait3A_61 = tpu.memref_slice %arg5[%dma_wait3A_53, %dma_wait3A_60] : memref<4x128xi32, #tpu.memory_space<vmem>> -> memref<1x128xi32, #tpu.memory_space<vmem>>
    %dma_wait3A_62 = tpu.memref_squeeze %dma_wait3A_61 : memref<1x128xi32, #tpu.memory_space<vmem>> -> memref<128xi32, #tpu.memory_space<vmem>>
    %dma_wait3A_63 = arith.constant 0 : i32
    %dma_wait3A_64 = tpu.memref_slice %arg2[%dma_wait3A, %dma_wait3A_63] : memref<12800x128xi32, #tpu.memory_space<hbm>> -> memref<1x128xi32, #tpu.memory_space<hbm>>
    %dma_wait3A_65 = tpu.memref_squeeze %dma_wait3A_64 : memref<1x128xi32, #tpu.memory_space<hbm>> -> memref<128xi32, #tpu.memory_space<hbm>>
    tpu.wait_dma2 semaphore(%arg19 : memref<!tpu.dma_semaphore, #tpu.memory_space<semaphore_mem>>) src(%dma_wait3A_65 : memref<128xi32, #tpu.memory_space<hbm>>) dst(%dma_wait3A_62 : memref<128xi32, #tpu.memory_space<vmem>>)
    %dma_start3A_66 = arith.constant 0 : i32
    %dma_start3A_67 = arith.constant 0 : i32
    %dma_start3A_68 = tpu.memref_slice %arg5[%dma_start3A_66, %dma_start3A_67] : memref<4x128xi32, #tpu.memory_space<vmem>> -> memref<1x128xi32, #tpu.memory_space<vmem>>
    %dma_start3A_69 = tpu.memref_squeeze %dma_start3A_68 : memref<1x128xi32, #tpu.memory_space<vmem>> -> memref<128xi32, #tpu.memory_space<vmem>>
    %dma_start3A_70 = arith.constant 0 : i32
    %dma_start3A_71 = arith.constant 0 : i32
    %dma_start3A_72 = tpu.memref_slice %arg6[%dma_start3A_70, %dma_start3A_71] : memref<2048x128xf32, #tpu.memory_space<vmem_shared>> -> memref<2048x128xf32, #tpu.memory_space<vmem_shared>>
    tpu.enqueue_indirect_dma source(%dma_start3A_72 : memref<2048x128xf32, #tpu.memory_space<vmem_shared>>) target(%arg7 : memref<128x128xf32, #tpu.memory_space<vmem>>) offsets(%dma_start3A_69 : memref<128xi32, #tpu.memory_space<vmem>>) semaphore(%arg11 : memref<!tpu.dma_semaphore, #tpu.memory_space<semaphore_mem>>)
    %dma_wait3A_73 = arith.constant 0 : i32
    %dma_wait3A_74 = arith.constant 1 : i32
    %dma_wait3A_75 = arith.constant 0 : i32
    %dma_wait3A_76 = tpu.memref_slice %arg5[%dma_wait3A_74, %dma_wait3A_75] : memref<4x128xi32, #tpu.memory_space<vmem>> -> memref<1x128xi32, #tpu.memory_space<vmem>>
    %dma_wait3A_77 = tpu.memref_squeeze %dma_wait3A_76 : memref<1x128xi32, #tpu.memory_space<vmem>> -> memref<128xi32, #tpu.memory_space<vmem>>
    %dma_wait3A_78 = arith.constant 0 : i32
    %dma_wait3A_79 = tpu.memref_slice %arg2[%dma_wait3A_73, %dma_wait3A_78] : memref<12800x128xi32, #tpu.memory_space<hbm>> -> memref<1x128xi32, #tpu.memory_space<hbm>>
    %dma_wait3A_80 = tpu.memref_squeeze %dma_wait3A_79 : memref<1x128xi32, #tpu.memory_space<hbm>> -> memref<128xi32, #tpu.memory_space<hbm>>
    %dma_wait3A_81 = arith.constant 0 : i32
    %dma_wait3A_82 = tpu.memref_slice %arg5[%dma_wait3A_74, %dma_wait3A_81] : memref<4x128xi32, #tpu.memory_space<vmem>> -> memref<1x128xi32, #tpu.memory_space<vmem>>
    %dma_wait3A_83 = tpu.memref_squeeze %dma_wait3A_82 : memref<1x128xi32, #tpu.memory_space<vmem>> -> memref<128xi32, #tpu.memory_space<vmem>>
    %dma_wait3A_84 = arith.constant 0 : i32
    %dma_wait3A_85 = tpu.memref_slice %arg2[%dma_wait3A_73, %dma_wait3A_84] : memref<12800x128xi32, #tpu.memory_space<hbm>> -> memref<1x128xi32, #tpu.memory_space<hbm>>
    %dma_wait3A_86 = tpu.memref_squeeze %dma_wait3A_85 : memref<1x128xi32, #tpu.memory_space<hbm>> -> memref<128xi32, #tpu.memory_space<hbm>>
    tpu.wait_dma2 semaphore(%arg20 : memref<!tpu.dma_semaphore, #tpu.memory_space<semaphore_mem>>) src(%dma_wait3A_86 : memref<128xi32, #tpu.memory_space<hbm>>) dst(%dma_wait3A_83 : memref<128xi32, #tpu.memory_space<vmem>>)
    %dma_start3A_87 = arith.constant 1 : i32
    %dma_start3A_88 = arith.constant 0 : i32
    %dma_start3A_89 = tpu.memref_slice %arg5[%dma_start3A_87, %dma_start3A_88] : memref<4x128xi32, #tpu.memory_space<vmem>> -> memref<1x128xi32, #tpu.memory_space<vmem>>
    %dma_start3A_90 = tpu.memref_squeeze %dma_start3A_89 : memref<1x128xi32, #tpu.memory_space<vmem>> -> memref<128xi32, #tpu.memory_space<vmem>>
    %dma_start3A_91 = arith.constant 0 : i32
    %dma_start3A_92 = arith.constant 0 : i32
    %dma_start3A_93 = tpu.memref_slice %arg6[%dma_start3A_91, %dma_start3A_92] : memref<2048x128xf32, #tpu.memory_space<vmem_shared>> -> memref<2048x128xf32, #tpu.memory_space<vmem_shared>>
    tpu.enqueue_indirect_dma source(%dma_start3A_93 : memref<2048x128xf32, #tpu.memory_space<vmem_shared>>) target(%arg8 : memref<128x128xf32, #tpu.memory_space<vmem>>) offsets(%dma_start3A_90 : memref<128xi32, #tpu.memory_space<vmem>>) semaphore(%arg12 : memref<!tpu.dma_semaphore, #tpu.memory_space<semaphore_mem>>)
    %scan3A = arith.constant 0 : i32
    %scan3A_94 = arith.constant 100 : i32
    %scan3A_95 = arith.addi %scan3A, %scan3A_94 : i32
    %scan3A_96 = arith.constant 1 : i32
    scf.for %scan3A_122 = %scan3A to %scan3A_95 step %scan3A_96  : i32 {
      %mul3A_123 = arith.constant 4 : i32
      %mul3A_124 = arith.muli %scan3A_122, %mul3A_123 : i32
      %add3A_125 = arith.constant 0 : i32
      %add3A_126 = arith.addi %mul3A_124, %add3A_125 : i32
      %add3A_127 = arith.constant 2 : i32
      %add3A_128 = arith.addi %add3A_126, %add3A_127 : i32
      %add3A_129 = arith.constant 3 : i32
      %add3A_130 = arith.addi %add3A_126, %add3A_129 : i32
      %lt3A = arith.constant 400 : i32
      %lt3A_131 = arith.cmpi slt, %add3A_130, %lt3A : i32
      %convert_element_type3A = arith.extui %lt3A_131 : i1 to i32
      %cond3A = arith.constant 0 : i32
      %cond3A_132 = arith.cmpi ne, %convert_element_type3A, %cond3A : i32
      scf.if %cond3A_132 {
        %add3A_290 = arith.addi %mul3A_4, %add3A_130 : i32
        %dma_start3A_291 = arith.constant 3 : i32
        %dma_start3A_292 = arith.constant 0 : i32
        %dma_start3A_293 = tpu.memref_slice %arg5[%dma_start3A_291, %dma_start3A_292] : memref<4x128xi32, #tpu.memory_space<vmem>> -> memref<1x128xi32, #tpu.memory_space<vmem>>
        %dma_start3A_294 = tpu.memref_squeeze %dma_start3A_293 : memref<1x128xi32, #tpu.memory_space<vmem>> -> memref<128xi32, #tpu.memory_space<vmem>>
        %dma_start3A_295 = arith.constant 0 : i32
        %dma_start3A_296 = tpu.memref_slice %arg2[%add3A_290, %dma_start3A_295] : memref<12800x128xi32, #tpu.memory_space<hbm>> -> memref<1x128xi32, #tpu.memory_space<hbm>>
        %dma_start3A_297 = tpu.memref_squeeze %dma_start3A_296 : memref<1x128xi32, #tpu.memory_space<hbm>> -> memref<128xi32, #tpu.memory_space<hbm>>
        %dma_start3A_298 = arith.constant 0 : i32
        %dma_start3A_299 = tpu.memref_slice %arg5[%dma_start3A_291, %dma_start3A_298] : memref<4x128xi32, #tpu.memory_space<vmem>> -> memref<1x128xi32, #tpu.memory_space<vmem>>
        %dma_start3A_300 = tpu.memref_squeeze %dma_start3A_299 : memref<1x128xi32, #tpu.memory_space<vmem>> -> memref<128xi32, #tpu.memory_space<vmem>>
        %dma_start3A_301 = arith.constant 0 : i32
        %dma_start3A_302 = tpu.memref_slice %arg2[%add3A_290, %dma_start3A_301] : memref<12800x128xi32, #tpu.memory_space<hbm>> -> memref<1x128xi32, #tpu.memory_space<hbm>>
        %dma_start3A_303 = tpu.memref_squeeze %dma_start3A_302 : memref<1x128xi32, #tpu.memory_space<hbm>> -> memref<128xi32, #tpu.memory_space<hbm>>
        tpu.enqueue_dma source(%dma_start3A_303 : memref<128xi32, #tpu.memory_space<hbm>>) target(%dma_start3A_300 : memref<128xi32, #tpu.memory_space<vmem>>) target_semaphore(%arg22 : memref<!tpu.dma_semaphore, #tpu.memory_space<semaphore_mem>>)
      } else {
      }
      %ge3A = arith.constant 4 : i32
      %ge3A_133 = arith.cmpi sge, %add3A_128, %ge3A : i32
      %lt3A_134 = arith.constant 400 : i32
      %lt3A_135 = arith.cmpi slt, %add3A_128, %lt3A_134 : i32
      %and3A = arith.andi %ge3A_133, %lt3A_135 : i1
      %convert_element_type3A_136 = arith.extui %and3A : i1 to i32
      %cond3A_137 = arith.constant 0 : i32
      %cond3A_138 = arith.cmpi ne, %convert_element_type3A_136, %cond3A_137 : i32
      scf.if %cond3A_138 {
        %dma_wait3A_290 = arith.constant 0 : i32
        %dma_wait3A_291 = arith.constant 0 : i32
        %dma_wait3A_292 = tpu.memref_slice %arg4[%dma_wait3A_290, %dma_wait3A_291] : memref<1638400x128xf32, #tpu.memory_space<hbm>> -> memref<128x128xf32, #tpu.memory_space<hbm>>
        %dma_wait3A_293 = arith.constant 0 : i32
        %dma_wait3A_294 = arith.constant 0 : i32
        %dma_wait3A_295 = tpu.memref_slice %arg4[%dma_wait3A_293, %dma_wait3A_294] : memref<1638400x128xf32, #tpu.memory_space<hbm>> -> memref<128x128xf32, #tpu.memory_space<hbm>>
        tpu.wait_dma2 semaphore(%arg17 : memref<!tpu.dma_semaphore, #tpu.memory_space<semaphore_mem>>) src(%arg9 : memref<128x128xf32, #tpu.memory_space<vmem>>) dst(%dma_wait3A_295 : memref<128x128xf32, #tpu.memory_space<hbm>>)
      } else {
      }
      %ge3A_139 = arith.constant 2 : i32
      %ge3A_140 = arith.cmpi sge, %add3A_128, %ge3A_139 : i32
      %lt3A_141 = arith.constant 400 : i32
      %lt3A_142 = arith.cmpi slt, %add3A_128, %lt3A_141 : i32
      %and3A_143 = arith.andi %ge3A_140, %lt3A_142 : i1
      %convert_element_type3A_144 = arith.extui %and3A_143 : i1 to i32
      %cond3A_145 = arith.constant 0 : i32
      %cond3A_146 = arith.cmpi ne, %convert_element_type3A_144, %cond3A_145 : i32
      scf.if %cond3A_146 {
        %dma_wait3A_290 = arith.constant 0 : i32
        %dma_wait3A_291 = arith.constant 2 : i32
        %dma_wait3A_292 = arith.constant 0 : i32
        %dma_wait3A_293 = tpu.memref_slice %arg5[%dma_wait3A_291, %dma_wait3A_292] : memref<4x128xi32, #tpu.memory_space<vmem>> -> memref<1x128xi32, #tpu.memory_space<vmem>>
        %dma_wait3A_294 = tpu.memref_squeeze %dma_wait3A_293 : memref<1x128xi32, #tpu.memory_space<vmem>> -> memref<128xi32, #tpu.memory_space<vmem>>
        %dma_wait3A_295 = arith.constant 0 : i32
        %dma_wait3A_296 = tpu.memref_slice %arg2[%dma_wait3A_290, %dma_wait3A_295] : memref<12800x128xi32, #tpu.memory_space<hbm>> -> memref<1x128xi32, #tpu.memory_space<hbm>>
        %dma_wait3A_297 = tpu.memref_squeeze %dma_wait3A_296 : memref<1x128xi32, #tpu.memory_space<hbm>> -> memref<128xi32, #tpu.memory_space<hbm>>
        %dma_wait3A_298 = arith.constant 0 : i32
        %dma_wait3A_299 = tpu.memref_slice %arg5[%dma_wait3A_291, %dma_wait3A_298] : memref<4x128xi32, #tpu.memory_space<vmem>> -> memref<1x128xi32, #tpu.memory_space<vmem>>
        %dma_wait3A_300 = tpu.memref_squeeze %dma_wait3A_299 : memref<1x128xi32, #tpu.memory_space<vmem>> -> memref<128xi32, #tpu.memory_space<vmem>>
        %dma_wait3A_301 = arith.constant 0 : i32
        %dma_wait3A_302 = tpu.memref_slice %arg2[%dma_wait3A_290, %dma_wait3A_301] : memref<12800x128xi32, #tpu.memory_space<hbm>> -> memref<1x128xi32, #tpu.memory_space<hbm>>
        %dma_wait3A_303 = tpu.memref_squeeze %dma_wait3A_302 : memref<1x128xi32, #tpu.memory_space<hbm>> -> memref<128xi32, #tpu.memory_space<hbm>>
        tpu.wait_dma2 semaphore(%arg21 : memref<!tpu.dma_semaphore, #tpu.memory_space<semaphore_mem>>) src(%dma_wait3A_303 : memref<128xi32, #tpu.memory_space<hbm>>) dst(%dma_wait3A_300 : memref<128xi32, #tpu.memory_space<vmem>>)
        %dma_start3A_304 = arith.constant 2 : i32
        %dma_start3A_305 = arith.constant 0 : i32
        %dma_start3A_306 = tpu.memref_slice %arg5[%dma_start3A_304, %dma_start3A_305] : memref<4x128xi32, #tpu.memory_space<vmem>> -> memref<1x128xi32, #tpu.memory_space<vmem>>
        %dma_start3A_307 = tpu.memref_squeeze %dma_start3A_306 : memref<1x128xi32, #tpu.memory_space<vmem>> -> memref<128xi32, #tpu.memory_space<vmem>>
        %dma_start3A_308 = arith.constant 0 : i32
        %dma_start3A_309 = arith.constant 0 : i32
        %dma_start3A_310 = tpu.memref_slice %arg6[%dma_start3A_308, %dma_start3A_309] : memref<2048x128xf32, #tpu.memory_space<vmem_shared>> -> memref<2048x128xf32, #tpu.memory_space<vmem_shared>>
        tpu.enqueue_indirect_dma source(%dma_start3A_310 : memref<2048x128xf32, #tpu.memory_space<vmem_shared>>) target(%arg9 : memref<128x128xf32, #tpu.memory_space<vmem>>) offsets(%dma_start3A_307 : memref<128xi32, #tpu.memory_space<vmem>>) semaphore(%arg13 : memref<!tpu.dma_semaphore, #tpu.memory_space<semaphore_mem>>)
      } else {
      }
      %dma_wait3A_147 = arith.constant 0 : i32
      %dma_wait3A_148 = arith.constant 0 : i32
      %dma_wait3A_149 = tpu.memref_slice %arg5[%dma_wait3A_147, %dma_wait3A_148] : memref<4x128xi32, #tpu.memory_space<vmem>> -> memref<1x128xi32, #tpu.memory_space<vmem>>
      %dma_wait3A_150 = tpu.memref_squeeze %dma_wait3A_149 : memref<1x128xi32, #tpu.memory_space<vmem>> -> memref<128xi32, #tpu.memory_space<vmem>>
      %dma_wait3A_151 = arith.constant 0 : i32
      %dma_wait3A_152 = arith.constant 0 : i32
      %dma_wait3A_153 = tpu.memref_slice %arg6[%dma_wait3A_151, %dma_wait3A_152] : memref<2048x128xf32, #tpu.memory_space<vmem_shared>> -> memref<2048x128xf32, #tpu.memory_space<vmem_shared>>
      tpu.wait_indirect_dma semaphore(%arg11 : memref<!tpu.dma_semaphore, #tpu.memory_space<semaphore_mem>>) src(%dma_wait3A_153 : memref<2048x128xf32, #tpu.memory_space<vmem_shared>>) dst(%arg7 : memref<128x128xf32, #tpu.memory_space<vmem>>)
      %mul3A_154 = arith.constant 128 : i32
      %mul3A_155 = arith.muli %add3A_126, %mul3A_154 : i32
      %add3A_156 = arith.addi %mul3A_2, %mul3A_155 : i32
      %dma_start3A_157 = arith.constant 0 : i32
      %dma_start3A_158 = tpu.memref_slice %arg4[%add3A_156, %dma_start3A_157] : memref<1638400x128xf32, #tpu.memory_space<hbm>> -> memref<128x128xf32, #tpu.memory_space<hbm>>
      %dma_start3A_159 = arith.constant 0 : i32
      %dma_start3A_160 = tpu.memref_slice %arg4[%add3A_156, %dma_start3A_159] : memref<1638400x128xf32, #tpu.memory_space<hbm>> -> memref<128x128xf32, #tpu.memory_space<hbm>>
      tpu.enqueue_dma source(%arg7 : memref<128x128xf32, #tpu.memory_space<vmem>>) target(%dma_start3A_160 : memref<128x128xf32, #tpu.memory_space<hbm>>) target_semaphore(%arg15 : memref<!tpu.dma_semaphore, #tpu.memory_space<semaphore_mem>>)
      %mul3A_161 = arith.constant 4 : i32
      %mul3A_162 = arith.muli %scan3A_122, %mul3A_161 : i32
      %add3A_163 = arith.constant 1 : i32
      %add3A_164 = arith.addi %mul3A_162, %add3A_163 : i32
      %add3A_165 = arith.constant 2 : i32
      %add3A_166 = arith.addi %add3A_164, %add3A_165 : i32
      %add3A_167 = arith.constant 3 : i32
      %add3A_168 = arith.addi %add3A_164, %add3A_167 : i32
      %lt3A_169 = arith.constant 400 : i32
      %lt3A_170 = arith.cmpi slt, %add3A_168, %lt3A_169 : i32
      %convert_element_type3A_171 = arith.extui %lt3A_170 : i1 to i32
      %cond3A_172 = arith.constant 0 : i32
      %cond3A_173 = arith.cmpi ne, %convert_element_type3A_171, %cond3A_172 : i32
      scf.if %cond3A_173 {
        %add3A_290 = arith.addi %mul3A_4, %add3A_168 : i32
        %dma_start3A_291 = arith.constant 0 : i32
        %dma_start3A_292 = arith.constant 0 : i32
        %dma_start3A_293 = tpu.memref_slice %arg5[%dma_start3A_291, %dma_start3A_292] : memref<4x128xi32, #tpu.memory_space<vmem>> -> memref<1x128xi32, #tpu.memory_space<vmem>>
        %dma_start3A_294 = tpu.memref_squeeze %dma_start3A_293 : memref<1x128xi32, #tpu.memory_space<vmem>> -> memref<128xi32, #tpu.memory_space<vmem>>
        %dma_start3A_295 = arith.constant 0 : i32
        %dma_start3A_296 = tpu.memref_slice %arg2[%add3A_290, %dma_start3A_295] : memref<12800x128xi32, #tpu.memory_space<hbm>> -> memref<1x128xi32, #tpu.memory_space<hbm>>
        %dma_start3A_297 = tpu.memref_squeeze %dma_start3A_296 : memref<1x128xi32, #tpu.memory_space<hbm>> -> memref<128xi32, #tpu.memory_space<hbm>>
        %dma_start3A_298 = arith.constant 0 : i32
        %dma_start3A_299 = tpu.memref_slice %arg5[%dma_start3A_291, %dma_start3A_298] : memref<4x128xi32, #tpu.memory_space<vmem>> -> memref<1x128xi32, #tpu.memory_space<vmem>>
        %dma_start3A_300 = tpu.memref_squeeze %dma_start3A_299 : memref<1x128xi32, #tpu.memory_space<vmem>> -> memref<128xi32, #tpu.memory_space<vmem>>
        %dma_start3A_301 = arith.constant 0 : i32
        %dma_start3A_302 = tpu.memref_slice %arg2[%add3A_290, %dma_start3A_301] : memref<12800x128xi32, #tpu.memory_space<hbm>> -> memref<1x128xi32, #tpu.memory_space<hbm>>
        %dma_start3A_303 = tpu.memref_squeeze %dma_start3A_302 : memref<1x128xi32, #tpu.memory_space<hbm>> -> memref<128xi32, #tpu.memory_space<hbm>>
        tpu.enqueue_dma source(%dma_start3A_303 : memref<128xi32, #tpu.memory_space<hbm>>) target(%dma_start3A_300 : memref<128xi32, #tpu.memory_space<vmem>>) target_semaphore(%arg19 : memref<!tpu.dma_semaphore, #tpu.memory_space<semaphore_mem>>)
      } else {
      }
      %ge3A_174 = arith.constant 4 : i32
      %ge3A_175 = arith.cmpi sge, %add3A_166, %ge3A_174 : i32
      %lt3A_176 = arith.constant 400 : i32
      %lt3A_177 = arith.cmpi slt, %add3A_166, %lt3A_176 : i32
      %and3A_178 = arith.andi %ge3A_175, %lt3A_177 : i1
      %convert_element_type3A_179 = arith.extui %and3A_178 : i1 to i32
      %cond3A_180 = arith.constant 0 : i32
      %cond3A_181 = arith.cmpi ne, %convert_element_type3A_179, %cond3A_180 : i32
      scf.if %cond3A_181 {
        %dma_wait3A_290 = arith.constant 0 : i32
        %dma_wait3A_291 = arith.constant 0 : i32
        %dma_wait3A_292 = tpu.memref_slice %arg4[%dma_wait3A_290, %dma_wait3A_291] : memref<1638400x128xf32, #tpu.memory_space<hbm>> -> memref<128x128xf32, #tpu.memory_space<hbm>>
        %dma_wait3A_293 = arith.constant 0 : i32
        %dma_wait3A_294 = arith.constant 0 : i32
        %dma_wait3A_295 = tpu.memref_slice %arg4[%dma_wait3A_293, %dma_wait3A_294] : memref<1638400x128xf32, #tpu.memory_space<hbm>> -> memref<128x128xf32, #tpu.memory_space<hbm>>
        tpu.wait_dma2 semaphore(%arg18 : memref<!tpu.dma_semaphore, #tpu.memory_space<semaphore_mem>>) src(%arg10 : memref<128x128xf32, #tpu.memory_space<vmem>>) dst(%dma_wait3A_295 : memref<128x128xf32, #tpu.memory_space<hbm>>)
      } else {
      }
      %ge3A_182 = arith.constant 2 : i32
      %ge3A_183 = arith.cmpi sge, %add3A_166, %ge3A_182 : i32
      %lt3A_184 = arith.constant 400 : i32
      %lt3A_185 = arith.cmpi slt, %add3A_166, %lt3A_184 : i32
      %and3A_186 = arith.andi %ge3A_183, %lt3A_185 : i1
      %convert_element_type3A_187 = arith.extui %and3A_186 : i1 to i32
      %cond3A_188 = arith.constant 0 : i32
      %cond3A_189 = arith.cmpi ne, %convert_element_type3A_187, %cond3A_188 : i32
      scf.if %cond3A_189 {
        %dma_wait3A_290 = arith.constant 0 : i32
        %dma_wait3A_291 = arith.constant 3 : i32
        %dma_wait3A_292 = arith.constant 0 : i32
        %dma_wait3A_293 = tpu.memref_slice %arg5[%dma_wait3A_291, %dma_wait3A_292] : memref<4x128xi32, #tpu.memory_space<vmem>> -> memref<1x128xi32, #tpu.memory_space<vmem>>
        %dma_wait3A_294 = tpu.memref_squeeze %dma_wait3A_293 : memref<1x128xi32, #tpu.memory_space<vmem>> -> memref<128xi32, #tpu.memory_space<vmem>>
        %dma_wait3A_295 = arith.constant 0 : i32
        %dma_wait3A_296 = tpu.memref_slice %arg2[%dma_wait3A_290, %dma_wait3A_295] : memref<12800x128xi32, #tpu.memory_space<hbm>> -> memref<1x128xi32, #tpu.memory_space<hbm>>
        %dma_wait3A_297 = tpu.memref_squeeze %dma_wait3A_296 : memref<1x128xi32, #tpu.memory_space<hbm>> -> memref<128xi32, #tpu.memory_space<hbm>>
        %dma_wait3A_298 = arith.constant 0 : i32
        %dma_wait3A_299 = tpu.memref_slice %arg5[%dma_wait3A_291, %dma_wait3A_298] : memref<4x128xi32, #tpu.memory_space<vmem>> -> memref<1x128xi32, #tpu.memory_space<vmem>>
        %dma_wait3A_300 = tpu.memref_squeeze %dma_wait3A_299 : memref<1x128xi32, #tpu.memory_space<vmem>> -> memref<128xi32, #tpu.memory_space<vmem>>
        %dma_wait3A_301 = arith.constant 0 : i32
        %dma_wait3A_302 = tpu.memref_slice %arg2[%dma_wait3A_290, %dma_wait3A_301] : memref<12800x128xi32, #tpu.memory_space<hbm>> -> memref<1x128xi32, #tpu.memory_space<hbm>>
        %dma_wait3A_303 = tpu.memref_squeeze %dma_wait3A_302 : memref<1x128xi32, #tpu.memory_space<hbm>> -> memref<128xi32, #tpu.memory_space<hbm>>
        tpu.wait_dma2 semaphore(%arg22 : memref<!tpu.dma_semaphore, #tpu.memory_space<semaphore_mem>>) src(%dma_wait3A_303 : memref<128xi32, #tpu.memory_space<hbm>>) dst(%dma_wait3A_300 : memref<128xi32, #tpu.memory_space<vmem>>)
        %dma_start3A_304 = arith.constant 3 : i32
        %dma_start3A_305 = arith.constant 0 : i32
        %dma_start3A_306 = tpu.memref_slice %arg5[%dma_start3A_304, %dma_start3A_305] : memref<4x128xi32, #tpu.memory_space<vmem>> -> memref<1x128xi32, #tpu.memory_space<vmem>>
        %dma_start3A_307 = tpu.memref_squeeze %dma_start3A_306 : memref<1x128xi32, #tpu.memory_space<vmem>> -> memref<128xi32, #tpu.memory_space<vmem>>
        %dma_start3A_308 = arith.constant 0 : i32
        %dma_start3A_309 = arith.constant 0 : i32
        %dma_start3A_310 = tpu.memref_slice %arg6[%dma_start3A_308, %dma_start3A_309] : memref<2048x128xf32, #tpu.memory_space<vmem_shared>> -> memref<2048x128xf32, #tpu.memory_space<vmem_shared>>
        tpu.enqueue_indirect_dma source(%dma_start3A_310 : memref<2048x128xf32, #tpu.memory_space<vmem_shared>>) target(%arg10 : memref<128x128xf32, #tpu.memory_space<vmem>>) offsets(%dma_start3A_307 : memref<128xi32, #tpu.memory_space<vmem>>) semaphore(%arg14 : memref<!tpu.dma_semaphore, #tpu.memory_space<semaphore_mem>>)
      } else {
      }
      %dma_wait3A_190 = arith.constant 1 : i32
      %dma_wait3A_191 = arith.constant 0 : i32
      %dma_wait3A_192 = tpu.memref_slice %arg5[%dma_wait3A_190, %dma_wait3A_191] : memref<4x128xi32, #tpu.memory_space<vmem>> -> memref<1x128xi32, #tpu.memory_space<vmem>>
      %dma_wait3A_193 = tpu.memref_squeeze %dma_wait3A_192 : memref<1x128xi32, #tpu.memory_space<vmem>> -> memref<128xi32, #tpu.memory_space<vmem>>
      %dma_wait3A_194 = arith.constant 0 : i32
      %dma_wait3A_195 = arith.constant 0 : i32
      %dma_wait3A_196 = tpu.memref_slice %arg6[%dma_wait3A_194, %dma_wait3A_195] : memref<2048x128xf32, #tpu.memory_space<vmem_shared>> -> memref<2048x128xf32, #tpu.memory_space<vmem_shared>>
      tpu.wait_indirect_dma semaphore(%arg12 : memref<!tpu.dma_semaphore, #tpu.memory_space<semaphore_mem>>) src(%dma_wait3A_196 : memref<2048x128xf32, #tpu.memory_space<vmem_shared>>) dst(%arg8 : memref<128x128xf32, #tpu.memory_space<vmem>>)
      %mul3A_197 = arith.constant 128 : i32
      %mul3A_198 = arith.muli %add3A_164, %mul3A_197 : i32
      %add3A_199 = arith.addi %mul3A_2, %mul3A_198 : i32
      %dma_start3A_200 = arith.constant 0 : i32
      %dma_start3A_201 = tpu.memref_slice %arg4[%add3A_199, %dma_start3A_200] : memref<1638400x128xf32, #tpu.memory_space<hbm>> -> memref<128x128xf32, #tpu.memory_space<hbm>>
      %dma_start3A_202 = arith.constant 0 : i32
      %dma_start3A_203 = tpu.memref_slice %arg4[%add3A_199, %dma_start3A_202] : memref<1638400x128xf32, #tpu.memory_space<hbm>> -> memref<128x128xf32, #tpu.memory_space<hbm>>
      tpu.enqueue_dma source(%arg8 : memref<128x128xf32, #tpu.memory_space<vmem>>) target(%dma_start3A_203 : memref<128x128xf32, #tpu.memory_space<hbm>>) target_semaphore(%arg16 : memref<!tpu.dma_semaphore, #tpu.memory_space<semaphore_mem>>)
      %mul3A_204 = arith.constant 4 : i32
      %mul3A_205 = arith.muli %scan3A_122, %mul3A_204 : i32
      %add3A_206 = arith.constant 2 : i32
      %add3A_207 = arith.addi %mul3A_205, %add3A_206 : i32
      %add3A_208 = arith.constant 2 : i32
      %add3A_209 = arith.addi %add3A_207, %add3A_208 : i32
      %add3A_210 = arith.constant 3 : i32
      %add3A_211 = arith.addi %add3A_207, %add3A_210 : i32
      %lt3A_212 = arith.constant 400 : i32
      %lt3A_213 = arith.cmpi slt, %add3A_211, %lt3A_212 : i32
      %convert_element_type3A_214 = arith.extui %lt3A_213 : i1 to i32
      %cond3A_215 = arith.constant 0 : i32
      %cond3A_216 = arith.cmpi ne, %convert_element_type3A_214, %cond3A_215 : i32
      scf.if %cond3A_216 {
        %add3A_290 = arith.addi %mul3A_4, %add3A_211 : i32
        %dma_start3A_291 = arith.constant 1 : i32
        %dma_start3A_292 = arith.constant 0 : i32
        %dma_start3A_293 = tpu.memref_slice %arg5[%dma_start3A_291, %dma_start3A_292] : memref<4x128xi32, #tpu.memory_space<vmem>> -> memref<1x128xi32, #tpu.memory_space<vmem>>
        %dma_start3A_294 = tpu.memref_squeeze %dma_start3A_293 : memref<1x128xi32, #tpu.memory_space<vmem>> -> memref<128xi32, #tpu.memory_space<vmem>>
        %dma_start3A_295 = arith.constant 0 : i32
        %dma_start3A_296 = tpu.memref_slice %arg2[%add3A_290, %dma_start3A_295] : memref<12800x128xi32, #tpu.memory_space<hbm>> -> memref<1x128xi32, #tpu.memory_space<hbm>>
        %dma_start3A_297 = tpu.memref_squeeze %dma_start3A_296 : memref<1x128xi32, #tpu.memory_space<hbm>> -> memref<128xi32, #tpu.memory_space<hbm>>
        %dma_start3A_298 = arith.constant 0 : i32
        %dma_start3A_299 = tpu.memref_slice %arg5[%dma_start3A_291, %dma_start3A_298] : memref<4x128xi32, #tpu.memory_space<vmem>> -> memref<1x128xi32, #tpu.memory_space<vmem>>
        %dma_start3A_300 = tpu.memref_squeeze %dma_start3A_299 : memref<1x128xi32, #tpu.memory_space<vmem>> -> memref<128xi32, #tpu.memory_space<vmem>>
        %dma_start3A_301 = arith.constant 0 : i32
        %dma_start3A_302 = tpu.memref_slice %arg2[%add3A_290, %dma_start3A_301] : memref<12800x128xi32, #tpu.memory_space<hbm>> -> memref<1x128xi32, #tpu.memory_space<hbm>>
        %dma_start3A_303 = tpu.memref_squeeze %dma_start3A_302 : memref<1x128xi32, #tpu.memory_space<hbm>> -> memref<128xi32, #tpu.memory_space<hbm>>
        tpu.enqueue_dma source(%dma_start3A_303 : memref<128xi32, #tpu.memory_space<hbm>>) target(%dma_start3A_300 : memref<128xi32, #tpu.memory_space<vmem>>) target_semaphore(%arg20 : memref<!tpu.dma_semaphore, #tpu.memory_space<semaphore_mem>>)
      } else {
      }
      %ge3A_217 = arith.constant 4 : i32
      %ge3A_218 = arith.cmpi sge, %add3A_209, %ge3A_217 : i32
      %lt3A_219 = arith.constant 400 : i32
      %lt3A_220 = arith.cmpi slt, %add3A_209, %lt3A_219 : i32
      %and3A_221 = arith.andi %ge3A_218, %lt3A_220 : i1
      %convert_element_type3A_222 = arith.extui %and3A_221 : i1 to i32
      %cond3A_223 = arith.constant 0 : i32
      %cond3A_224 = arith.cmpi ne, %convert_element_type3A_222, %cond3A_223 : i32
      scf.if %cond3A_224 {
        %dma_wait3A_290 = arith.constant 0 : i32
        %dma_wait3A_291 = arith.constant 0 : i32
        %dma_wait3A_292 = tpu.memref_slice %arg4[%dma_wait3A_290, %dma_wait3A_291] : memref<1638400x128xf32, #tpu.memory_space<hbm>> -> memref<128x128xf32, #tpu.memory_space<hbm>>
        %dma_wait3A_293 = arith.constant 0 : i32
        %dma_wait3A_294 = arith.constant 0 : i32
        %dma_wait3A_295 = tpu.memref_slice %arg4[%dma_wait3A_293, %dma_wait3A_294] : memref<1638400x128xf32, #tpu.memory_space<hbm>> -> memref<128x128xf32, #tpu.memory_space<hbm>>
        tpu.wait_dma2 semaphore(%arg15 : memref<!tpu.dma_semaphore, #tpu.memory_space<semaphore_mem>>) src(%arg7 : memref<128x128xf32, #tpu.memory_space<vmem>>) dst(%dma_wait3A_295 : memref<128x128xf32, #tpu.memory_space<hbm>>)
      } else {
      }
      %ge3A_225 = arith.constant 2 : i32
      %ge3A_226 = arith.cmpi sge, %add3A_209, %ge3A_225 : i32
      %lt3A_227 = arith.constant 400 : i32
      %lt3A_228 = arith.cmpi slt, %add3A_209, %lt3A_227 : i32
      %and3A_229 = arith.andi %ge3A_226, %lt3A_228 : i1
      %convert_element_type3A_230 = arith.extui %and3A_229 : i1 to i32
      %cond3A_231 = arith.constant 0 : i32
      %cond3A_232 = arith.cmpi ne, %convert_element_type3A_230, %cond3A_231 : i32
      scf.if %cond3A_232 {
        %dma_wait3A_290 = arith.constant 0 : i32
        %dma_wait3A_291 = arith.constant 0 : i32
        %dma_wait3A_292 = arith.constant 0 : i32
        %dma_wait3A_293 = tpu.memref_slice %arg5[%dma_wait3A_291, %dma_wait3A_292] : memref<4x128xi32, #tpu.memory_space<vmem>> -> memref<1x128xi32, #tpu.memory_space<vmem>>
        %dma_wait3A_294 = tpu.memref_squeeze %dma_wait3A_293 : memref<1x128xi32, #tpu.memory_space<vmem>> -> memref<128xi32, #tpu.memory_space<vmem>>
        %dma_wait3A_295 = arith.constant 0 : i32
        %dma_wait3A_296 = tpu.memref_slice %arg2[%dma_wait3A_290, %dma_wait3A_295] : memref<12800x128xi32, #tpu.memory_space<hbm>> -> memref<1x128xi32, #tpu.memory_space<hbm>>
        %dma_wait3A_297 = tpu.memref_squeeze %dma_wait3A_296 : memref<1x128xi32, #tpu.memory_space<hbm>> -> memref<128xi32, #tpu.memory_space<hbm>>
        %dma_wait3A_298 = arith.constant 0 : i32
        %dma_wait3A_299 = tpu.memref_slice %arg5[%dma_wait3A_291, %dma_wait3A_298] : memref<4x128xi32, #tpu.memory_space<vmem>> -> memref<1x128xi32, #tpu.memory_space<vmem>>
        %dma_wait3A_300 = tpu.memref_squeeze %dma_wait3A_299 : memref<1x128xi32, #tpu.memory_space<vmem>> -> memref<128xi32, #tpu.memory_space<vmem>>
        %dma_wait3A_301 = arith.constant 0 : i32
        %dma_wait3A_302 = tpu.memref_slice %arg2[%dma_wait3A_290, %dma_wait3A_301] : memref<12800x128xi32, #tpu.memory_space<hbm>> -> memref<1x128xi32, #tpu.memory_space<hbm>>
        %dma_wait3A_303 = tpu.memref_squeeze %dma_wait3A_302 : memref<1x128xi32, #tpu.memory_space<hbm>> -> memref<128xi32, #tpu.memory_space<hbm>>
        tpu.wait_dma2 semaphore(%arg19 : memref<!tpu.dma_semaphore, #tpu.memory_space<semaphore_mem>>) src(%dma_wait3A_303 : memref<128xi32, #tpu.memory_space<hbm>>) dst(%dma_wait3A_300 : memref<128xi32, #tpu.memory_space<vmem>>)
        %dma_start3A_304 = arith.constant 0 : i32
        %dma_start3A_305 = arith.constant 0 : i32
        %dma_start3A_306 = tpu.memref_slice %arg5[%dma_start3A_304, %dma_start3A_305] : memref<4x128xi32, #tpu.memory_space<vmem>> -> memref<1x128xi32, #tpu.memory_space<vmem>>
        %dma_start3A_307 = tpu.memref_squeeze %dma_start3A_306 : memref<1x128xi32, #tpu.memory_space<vmem>> -> memref<128xi32, #tpu.memory_space<vmem>>
        %dma_start3A_308 = arith.constant 0 : i32
        %dma_start3A_309 = arith.constant 0 : i32
        %dma_start3A_310 = tpu.memref_slice %arg6[%dma_start3A_308, %dma_start3A_309] : memref<2048x128xf32, #tpu.memory_space<vmem_shared>> -> memref<2048x128xf32, #tpu.memory_space<vmem_shared>>
        tpu.enqueue_indirect_dma source(%dma_start3A_310 : memref<2048x128xf32, #tpu.memory_space<vmem_shared>>) target(%arg7 : memref<128x128xf32, #tpu.memory_space<vmem>>) offsets(%dma_start3A_307 : memref<128xi32, #tpu.memory_space<vmem>>) semaphore(%arg11 : memref<!tpu.dma_semaphore, #tpu.memory_space<semaphore_mem>>)
      } else {
      }
      %dma_wait3A_233 = arith.constant 2 : i32
      %dma_wait3A_234 = arith.constant 0 : i32
      %dma_wait3A_235 = tpu.memref_slice %arg5[%dma_wait3A_233, %dma_wait3A_234] : memref<4x128xi32, #tpu.memory_space<vmem>> -> memref<1x128xi32, #tpu.memory_space<vmem>>
      %dma_wait3A_236 = tpu.memref_squeeze %dma_wait3A_235 : memref<1x128xi32, #tpu.memory_space<vmem>> -> memref<128xi32, #tpu.memory_space<vmem>>
      %dma_wait3A_237 = arith.constant 0 : i32
      %dma_wait3A_238 = arith.constant 0 : i32
      %dma_wait3A_239 = tpu.memref_slice %arg6[%dma_wait3A_237, %dma_wait3A_238] : memref<2048x128xf32, #tpu.memory_space<vmem_shared>> -> memref<2048x128xf32, #tpu.memory_space<vmem_shared>>
      tpu.wait_indirect_dma semaphore(%arg13 : memref<!tpu.dma_semaphore, #tpu.memory_space<semaphore_mem>>) src(%dma_wait3A_239 : memref<2048x128xf32, #tpu.memory_space<vmem_shared>>) dst(%arg9 : memref<128x128xf32, #tpu.memory_space<vmem>>)
      %mul3A_240 = arith.constant 128 : i32
      %mul3A_241 = arith.muli %add3A_207, %mul3A_240 : i32
      %add3A_242 = arith.addi %mul3A_2, %mul3A_241 : i32
      %dma_start3A_243 = arith.constant 0 : i32
      %dma_start3A_244 = tpu.memref_slice %arg4[%add3A_242, %dma_start3A_243] : memref<1638400x128xf32, #tpu.memory_space<hbm>> -> memref<128x128xf32, #tpu.memory_space<hbm>>
      %dma_start3A_245 = arith.constant 0 : i32
      %dma_start3A_246 = tpu.memref_slice %arg4[%add3A_242, %dma_start3A_245] : memref<1638400x128xf32, #tpu.memory_space<hbm>> -> memref<128x128xf32, #tpu.memory_space<hbm>>
      tpu.enqueue_dma source(%arg9 : memref<128x128xf32, #tpu.memory_space<vmem>>) target(%dma_start3A_246 : memref<128x128xf32, #tpu.memory_space<hbm>>) target_semaphore(%arg17 : memref<!tpu.dma_semaphore, #tpu.memory_space<semaphore_mem>>)
      %mul3A_247 = arith.constant 4 : i32
      %mul3A_248 = arith.muli %scan3A_122, %mul3A_247 : i32
      %add3A_249 = arith.constant 3 : i32
      %add3A_250 = arith.addi %mul3A_248, %add3A_249 : i32
      %add3A_251 = arith.constant 2 : i32
      %add3A_252 = arith.addi %add3A_250, %add3A_251 : i32
      %add3A_253 = arith.constant 3 : i32
      %add3A_254 = arith.addi %add3A_250, %add3A_253 : i32
      %lt3A_255 = arith.constant 400 : i32
      %lt3A_256 = arith.cmpi slt, %add3A_254, %lt3A_255 : i32
      %convert_element_type3A_257 = arith.extui %lt3A_256 : i1 to i32
      %cond3A_258 = arith.constant 0 : i32
      %cond3A_259 = arith.cmpi ne, %convert_element_type3A_257, %cond3A_258 : i32
      scf.if %cond3A_259 {
        %add3A_290 = arith.addi %mul3A_4, %add3A_254 : i32
        %dma_start3A_291 = arith.constant 2 : i32
        %dma_start3A_292 = arith.constant 0 : i32
        %dma_start3A_293 = tpu.memref_slice %arg5[%dma_start3A_291, %dma_start3A_292] : memref<4x128xi32, #tpu.memory_space<vmem>> -> memref<1x128xi32, #tpu.memory_space<vmem>>
        %dma_start3A_294 = tpu.memref_squeeze %dma_start3A_293 : memref<1x128xi32, #tpu.memory_space<vmem>> -> memref<128xi32, #tpu.memory_space<vmem>>
        %dma_start3A_295 = arith.constant 0 : i32
        %dma_start3A_296 = tpu.memref_slice %arg2[%add3A_290, %dma_start3A_295] : memref<12800x128xi32, #tpu.memory_space<hbm>> -> memref<1x128xi32, #tpu.memory_space<hbm>>
        %dma_start3A_297 = tpu.memref_squeeze %dma_start3A_296 : memref<1x128xi32, #tpu.memory_space<hbm>> -> memref<128xi32, #tpu.memory_space<hbm>>
        %dma_start3A_298 = arith.constant 0 : i32
        %dma_start3A_299 = tpu.memref_slice %arg5[%dma_start3A_291, %dma_start3A_298] : memref<4x128xi32, #tpu.memory_space<vmem>> -> memref<1x128xi32, #tpu.memory_space<vmem>>
        %dma_start3A_300 = tpu.memref_squeeze %dma_start3A_299 : memref<1x128xi32, #tpu.memory_space<vmem>> -> memref<128xi32, #tpu.memory_space<vmem>>
        %dma_start3A_301 = arith.constant 0 : i32
        %dma_start3A_302 = tpu.memref_slice %arg2[%add3A_290, %dma_start3A_301] : memref<12800x128xi32, #tpu.memory_space<hbm>> -> memref<1x128xi32, #tpu.memory_space<hbm>>
        %dma_start3A_303 = tpu.memref_squeeze %dma_start3A_302 : memref<1x128xi32, #tpu.memory_space<hbm>> -> memref<128xi32, #tpu.memory_space<hbm>>
        tpu.enqueue_dma source(%dma_start3A_303 : memref<128xi32, #tpu.memory_space<hbm>>) target(%dma_start3A_300 : memref<128xi32, #tpu.memory_space<vmem>>) target_semaphore(%arg21 : memref<!tpu.dma_semaphore, #tpu.memory_space<semaphore_mem>>)
      } else {
      }
      %ge3A_260 = arith.constant 4 : i32
      %ge3A_261 = arith.cmpi sge, %add3A_252, %ge3A_260 : i32
      %lt3A_262 = arith.constant 400 : i32
      %lt3A_263 = arith.cmpi slt, %add3A_252, %lt3A_262 : i32
      %and3A_264 = arith.andi %ge3A_261, %lt3A_263 : i1
      %convert_element_type3A_265 = arith.extui %and3A_264 : i1 to i32
      %cond3A_266 = arith.constant 0 : i32
      %cond3A_267 = arith.cmpi ne, %convert_element_type3A_265, %cond3A_266 : i32
      scf.if %cond3A_267 {
        %dma_wait3A_290 = arith.constant 0 : i32
        %dma_wait3A_291 = arith.constant 0 : i32
        %dma_wait3A_292 = tpu.memref_slice %arg4[%dma_wait3A_290, %dma_wait3A_291] : memref<1638400x128xf32, #tpu.memory_space<hbm>> -> memref<128x128xf32, #tpu.memory_space<hbm>>
        %dma_wait3A_293 = arith.constant 0 : i32
        %dma_wait3A_294 = arith.constant 0 : i32
        %dma_wait3A_295 = tpu.memref_slice %arg4[%dma_wait3A_293, %dma_wait3A_294] : memref<1638400x128xf32, #tpu.memory_space<hbm>> -> memref<128x128xf32, #tpu.memory_space<hbm>>
        tpu.wait_dma2 semaphore(%arg16 : memref<!tpu.dma_semaphore, #tpu.memory_space<semaphore_mem>>) src(%arg8 : memref<128x128xf32, #tpu.memory_space<vmem>>) dst(%dma_wait3A_295 : memref<128x128xf32, #tpu.memory_space<hbm>>)
      } else {
      }
      %ge3A_268 = arith.constant 2 : i32
      %ge3A_269 = arith.cmpi sge, %add3A_252, %ge3A_268 : i32
      %lt3A_270 = arith.constant 400 : i32
      %lt3A_271 = arith.cmpi slt, %add3A_252, %lt3A_270 : i32
      %and3A_272 = arith.andi %ge3A_269, %lt3A_271 : i1
      %convert_element_type3A_273 = arith.extui %and3A_272 : i1 to i32
      %cond3A_274 = arith.constant 0 : i32
      %cond3A_275 = arith.cmpi ne, %convert_element_type3A_273, %cond3A_274 : i32
      scf.if %cond3A_275 {
        %dma_wait3A_290 = arith.constant 0 : i32
        %dma_wait3A_291 = arith.constant 1 : i32
        %dma_wait3A_292 = arith.constant 0 : i32
        %dma_wait3A_293 = tpu.memref_slice %arg5[%dma_wait3A_291, %dma_wait3A_292] : memref<4x128xi32, #tpu.memory_space<vmem>> -> memref<1x128xi32, #tpu.memory_space<vmem>>
        %dma_wait3A_294 = tpu.memref_squeeze %dma_wait3A_293 : memref<1x128xi32, #tpu.memory_space<vmem>> -> memref<128xi32, #tpu.memory_space<vmem>>
        %dma_wait3A_295 = arith.constant 0 : i32
        %dma_wait3A_296 = tpu.memref_slice %arg2[%dma_wait3A_290, %dma_wait3A_295] : memref<12800x128xi32, #tpu.memory_space<hbm>> -> memref<1x128xi32, #tpu.memory_space<hbm>>
        %dma_wait3A_297 = tpu.memref_squeeze %dma_wait3A_296 : memref<1x128xi32, #tpu.memory_space<hbm>> -> memref<128xi32, #tpu.memory_space<hbm>>
        %dma_wait3A_298 = arith.constant 0 : i32
        %dma_wait3A_299 = tpu.memref_slice %arg5[%dma_wait3A_291, %dma_wait3A_298] : memref<4x128xi32, #tpu.memory_space<vmem>> -> memref<1x128xi32, #tpu.memory_space<vmem>>
        %dma_wait3A_300 = tpu.memref_squeeze %dma_wait3A_299 : memref<1x128xi32, #tpu.memory_space<vmem>> -> memref<128xi32, #tpu.memory_space<vmem>>
        %dma_wait3A_301 = arith.constant 0 : i32
        %dma_wait3A_302 = tpu.memref_slice %arg2[%dma_wait3A_290, %dma_wait3A_301] : memref<12800x128xi32, #tpu.memory_space<hbm>> -> memref<1x128xi32, #tpu.memory_space<hbm>>
        %dma_wait3A_303 = tpu.memref_squeeze %dma_wait3A_302 : memref<1x128xi32, #tpu.memory_space<hbm>> -> memref<128xi32, #tpu.memory_space<hbm>>
        tpu.wait_dma2 semaphore(%arg20 : memref<!tpu.dma_semaphore, #tpu.memory_space<semaphore_mem>>) src(%dma_wait3A_303 : memref<128xi32, #tpu.memory_space<hbm>>) dst(%dma_wait3A_300 : memref<128xi32, #tpu.memory_space<vmem>>)
        %dma_start3A_304 = arith.constant 1 : i32
        %dma_start3A_305 = arith.constant 0 : i32
        %dma_start3A_306 = tpu.memref_slice %arg5[%dma_start3A_304, %dma_start3A_305] : memref<4x128xi32, #tpu.memory_space<vmem>> -> memref<1x128xi32, #tpu.memory_space<vmem>>
        %dma_start3A_307 = tpu.memref_squeeze %dma_start3A_306 : memref<1x128xi32, #tpu.memory_space<vmem>> -> memref<128xi32, #tpu.memory_space<vmem>>
        %dma_start3A_308 = arith.constant 0 : i32
        %dma_start3A_309 = arith.constant 0 : i32
        %dma_start3A_310 = tpu.memref_slice %arg6[%dma_start3A_308, %dma_start3A_309] : memref<2048x128xf32, #tpu.memory_space<vmem_shared>> -> memref<2048x128xf32, #tpu.memory_space<vmem_shared>>
        tpu.enqueue_indirect_dma source(%dma_start3A_310 : memref<2048x128xf32, #tpu.memory_space<vmem_shared>>) target(%arg8 : memref<128x128xf32, #tpu.memory_space<vmem>>) offsets(%dma_start3A_307 : memref<128xi32, #tpu.memory_space<vmem>>) semaphore(%arg12 : memref<!tpu.dma_semaphore, #tpu.memory_space<semaphore_mem>>)
      } else {
      }
      %dma_wait3A_276 = arith.constant 3 : i32
      %dma_wait3A_277 = arith.constant 0 : i32
      %dma_wait3A_278 = tpu.memref_slice %arg5[%dma_wait3A_276, %dma_wait3A_277] : memref<4x128xi32, #tpu.memory_space<vmem>> -> memref<1x128xi32, #tpu.memory_space<vmem>>
      %dma_wait3A_279 = tpu.memref_squeeze %dma_wait3A_278 : memref<1x128xi32, #tpu.memory_space<vmem>> -> memref<128xi32, #tpu.memory_space<vmem>>
      %dma_wait3A_280 = arith.constant 0 : i32
      %dma_wait3A_281 = arith.constant 0 : i32
      %dma_wait3A_282 = tpu.memref_slice %arg6[%dma_wait3A_280, %dma_wait3A_281] : memref<2048x128xf32, #tpu.memory_space<vmem_shared>> -> memref<2048x128xf32, #tpu.memory_space<vmem_shared>>
      tpu.wait_indirect_dma semaphore(%arg14 : memref<!tpu.dma_semaphore, #tpu.memory_space<semaphore_mem>>) src(%dma_wait3A_282 : memref<2048x128xf32, #tpu.memory_space<vmem_shared>>) dst(%arg10 : memref<128x128xf32, #tpu.memory_space<vmem>>)
      %mul3A_283 = arith.constant 128 : i32
      %mul3A_284 = arith.muli %add3A_250, %mul3A_283 : i32
      %add3A_285 = arith.addi %mul3A_2, %mul3A_284 : i32
      %dma_start3A_286 = arith.constant 0 : i32
      %dma_start3A_287 = tpu.memref_slice %arg4[%add3A_285, %dma_start3A_286] : memref<1638400x128xf32, #tpu.memory_space<hbm>> -> memref<128x128xf32, #tpu.memory_space<hbm>>
      %dma_start3A_288 = arith.constant 0 : i32
      %dma_start3A_289 = tpu.memref_slice %arg4[%add3A_285, %dma_start3A_288] : memref<1638400x128xf32, #tpu.memory_space<hbm>> -> memref<128x128xf32, #tpu.memory_space<hbm>>
      tpu.enqueue_dma source(%arg10 : memref<128x128xf32, #tpu.memory_space<vmem>>) target(%dma_start3A_289 : memref<128x128xf32, #tpu.memory_space<hbm>>) target_semaphore(%arg18 : memref<!tpu.dma_semaphore, #tpu.memory_space<semaphore_mem>>)
    }
    %scan3A_97 = arith.constant 100 : i32
    %dma_wait3A_98 = arith.constant 0 : i32
    %dma_wait3A_99 = arith.constant 0 : i32
    %dma_wait3A_100 = tpu.memref_slice %arg4[%dma_wait3A_98, %dma_wait3A_99] : memref<1638400x128xf32, #tpu.memory_space<hbm>> -> memref<128x128xf32, #tpu.memory_space<hbm>>
    %dma_wait3A_101 = arith.constant 0 : i32
    %dma_wait3A_102 = arith.constant 0 : i32
    %dma_wait3A_103 = tpu.memref_slice %arg4[%dma_wait3A_101, %dma_wait3A_102] : memref<1638400x128xf32, #tpu.memory_space<hbm>> -> memref<128x128xf32, #tpu.memory_space<hbm>>
    tpu.wait_dma2 semaphore(%arg15 : memref<!tpu.dma_semaphore, #tpu.memory_space<semaphore_mem>>) src(%arg7 : memref<128x128xf32, #tpu.memory_space<vmem>>) dst(%dma_wait3A_103 : memref<128x128xf32, #tpu.memory_space<hbm>>)
    %dma_wait3A_104 = arith.constant 0 : i32
    %dma_wait3A_105 = arith.constant 0 : i32
    %dma_wait3A_106 = tpu.memref_slice %arg4[%dma_wait3A_104, %dma_wait3A_105] : memref<1638400x128xf32, #tpu.memory_space<hbm>> -> memref<128x128xf32, #tpu.memory_space<hbm>>
    %dma_wait3A_107 = arith.constant 0 : i32
    %dma_wait3A_108 = arith.constant 0 : i32
    %dma_wait3A_109 = tpu.memref_slice %arg4[%dma_wait3A_107, %dma_wait3A_108] : memref<1638400x128xf32, #tpu.memory_space<hbm>> -> memref<128x128xf32, #tpu.memory_space<hbm>>
    tpu.wait_dma2 semaphore(%arg16 : memref<!tpu.dma_semaphore, #tpu.memory_space<semaphore_mem>>) src(%arg8 : memref<128x128xf32, #tpu.memory_space<vmem>>) dst(%dma_wait3A_109 : memref<128x128xf32, #tpu.memory_space<hbm>>)
    %dma_wait3A_110 = arith.constant 0 : i32
    %dma_wait3A_111 = arith.constant 0 : i32
    %dma_wait3A_112 = tpu.memref_slice %arg4[%dma_wait3A_110, %dma_wait3A_111] : memref<1638400x128xf32, #tpu.memory_space<hbm>> -> memref<128x128xf32, #tpu.memory_space<hbm>>
    %dma_wait3A_113 = arith.constant 0 : i32
    %dma_wait3A_114 = arith.constant 0 : i32
    %dma_wait3A_115 = tpu.memref_slice %arg4[%dma_wait3A_113, %dma_wait3A_114] : memref<1638400x128xf32, #tpu.memory_space<hbm>> -> memref<128x128xf32, #tpu.memory_space<hbm>>
    tpu.wait_dma2 semaphore(%arg17 : memref<!tpu.dma_semaphore, #tpu.memory_space<semaphore_mem>>) src(%arg9 : memref<128x128xf32, #tpu.memory_space<vmem>>) dst(%dma_wait3A_115 : memref<128x128xf32, #tpu.memory_space<hbm>>)
    %dma_wait3A_116 = arith.constant 0 : i32
    %dma_wait3A_117 = arith.constant 0 : i32
    %dma_wait3A_118 = tpu.memref_slice %arg4[%dma_wait3A_116, %dma_wait3A_117] : memref<1638400x128xf32, #tpu.memory_space<hbm>> -> memref<128x128xf32, #tpu.memory_space<hbm>>
    %dma_wait3A_119 = arith.constant 0 : i32
    %dma_wait3A_120 = arith.constant 0 : i32
    %dma_wait3A_121 = tpu.memref_slice %arg4[%dma_wait3A_119, %dma_wait3A_120] : memref<1638400x128xf32, #tpu.memory_space<hbm>> -> memref<128x128xf32, #tpu.memory_space<hbm>>
    tpu.wait_dma2 semaphore(%arg18 : memref<!tpu.dma_semaphore, #tpu.memory_space<semaphore_mem>>) src(%arg10 : memref<128x128xf32, #tpu.memory_space<vmem>>) dst(%dma_wait3A_121 : memref<128x128xf32, #tpu.memory_space<hbm>>)
    return
  }
}

module attributes {stable_mosaic.version = 14 : i64} {
  func.func @_prep_kernel(%arg0: memref<1024x128xf32, #tpu.memory_space<vmem>>, %arg1: memref<1024x128xf32, #tpu.memory_space<vmem>>, %arg2: memref<2x128xf32, #tpu.memory_space<vmem>>, %arg3: memref<4096x400xf32, #tpu.memory_space<vmem>>, %arg4: memref<2048x128xf32, #tpu.memory_space<vmem>>, %arg5: memref<4096x400xi32, #tpu.memory_space<vmem>>) attributes {dimension_semantics = [], scalar_prefetch = 0 : i64, scratch_operands = 0 : i64, tpu.core_type = #tpu.core_type<tc>} {
    %get3A = arith.constant 0 : index
    %get3A_0 = arith.constant 0 : index
    %get3A_1 = vector.load %arg0[%get3A, %get3A_0] : memref<1024x128xf32, #tpu.memory_space<vmem>>, vector<1024x128xf32>
    %get3A_2 = arith.constant 0 : index
    %get3A_3 = arith.constant 0 : index
    %get3A_4 = vector.load %arg2[%get3A_2, %get3A_3] : memref<2x128xf32, #tpu.memory_space<vmem>>, vector<1x128xf32>
    %add3A = vector.broadcast %get3A_4 : vector<1x128xf32> to vector<1024x128xf32>
    %add3A_5 = arith.addf %get3A_1, %add3A : vector<1024x128xf32>
    %swap3A = arith.constant 0 : index
    %swap3A_6 = arith.constant 0 : index
    %swap3A_7 = vector.load %arg4[%swap3A, %swap3A_6] : memref<2048x128xf32, #tpu.memory_space<vmem>>, vector<1024x128xf32>
    tpu.vector_store %arg4[%swap3A, %swap3A_6], %add3A_5 {strides = array<i32>} : memref<2048x128xf32, #tpu.memory_space<vmem>>, vector<1024x128xf32>,
    %get3A_8 = arith.constant 0 : index
    %get3A_9 = arith.constant 0 : index
    %get3A_10 = vector.load %arg1[%get3A_8, %get3A_9] : memref<1024x128xf32, #tpu.memory_space<vmem>>, vector<1024x128xf32>
    %get3A_11 = arith.constant 1 : index
    %get3A_12 = arith.constant 0 : index
    %get3A_13 = vector.load %arg2[%get3A_11, %get3A_12] : memref<2x128xf32, #tpu.memory_space<vmem>>, vector<1x128xf32>
    %add3A_14 = vector.broadcast %get3A_13 : vector<1x128xf32> to vector<1024x128xf32>
    %add3A_15 = arith.addf %get3A_10, %add3A_14 : vector<1024x128xf32>
    %swap3A_16 = arith.constant 1024 : index
    %swap3A_17 = arith.constant 0 : index
    %swap3A_18 = vector.load %arg4[%swap3A_16, %swap3A_17] : memref<2048x128xf32, #tpu.memory_space<vmem>>, vector<1024x128xf32>
    tpu.vector_store %arg4[%swap3A_16, %swap3A_17], %add3A_15 {strides = array<i32>} : memref<2048x128xf32, #tpu.memory_space<vmem>>, vector<1024x128xf32>,
    %get3A_19 = arith.constant 0 : index
    %get3A_20 = arith.constant 0 : index
    %get3A_21 = vector.load %arg3[%get3A_19, %get3A_20] : memref<4096x400xf32, #tpu.memory_space<vmem>>, vector<4096x400xf32>
    %add3A_22 = arith.constant 5.000000e+01 : f32
    %add3A_23 = vector.broadcast %add3A_22 : f32 to vector<4096x400xf32>
    %add3A_24 = arith.addf %get3A_21, %add3A_23 : vector<4096x400xf32>
    %mul3A = arith.constant 1.023000e+01 : f32
    %mul3A_25 = vector.broadcast %mul3A : f32 to vector<4096x400xf32>
    %mul3A_26 = arith.mulf %add3A_24, %mul3A_25 : vector<4096x400xf32>
    %convert_element_type3A = arith.fptosi %mul3A_26 : vector<4096x400xf32> to vector<4096x400xi32>
    %jit3A = arith.constant 0 : i32
    %jit3A_27 = arith.constant 1023 : i32
    %max3A = vector.broadcast %jit3A : i32 to vector<4096x400xi32>
    %max3A_28 = arith.maxsi %max3A, %convert_element_type3A : vector<4096x400xi32>
    %min3A = vector.broadcast %jit3A_27 : i32 to vector<4096x400xi32>
    %min3A_29 = arith.minsi %min3A, %max3A_28 : vector<4096x400xi32>
    %iota3A = tpu.iota {dimensions = array<i32: 1>} : vector<4096x400xi32>
    %and3A = arith.constant 1 : i32
    %and3A_30 = vector.broadcast %and3A : i32 to vector<4096x400xi32>
    %and3A_31 = arith.andi %iota3A, %and3A_30 : vector<4096x400xi32>
    %mul3A_32 = arith.constant 1024 : i32
    %mul3A_33 = vector.broadcast %mul3A_32 : i32 to vector<4096x400xi32>
    %mul3A_34 = arith.muli %and3A_31, %mul3A_33 : vector<4096x400xi32>
    %add3A_35 = arith.addi %min3A_29, %mul3A_34 : vector<4096x400xi32>
    %swap3A_36 = arith.constant 0 : index
    %swap3A_37 = arith.constant 0 : index
    %swap3A_38 = vector.load %arg5[%swap3A_36, %swap3A_37] : memref<4096x400xi32, #tpu.memory_space<vmem>>, vector<4096x400xi32>
    tpu.vector_store %arg5[%swap3A_36, %swap3A_37], %add3A_35 {strides = array<i32>} : memref<4096x400xi32, #tpu.memory_space<vmem>>, vector<4096x400xi32>,
    return
  }
}

</mosaic_0001>

<sc_bundles>
// kernel: kernel.4.cloned.1.call-start
scs
__scs_entry_jumppad:
0x0: {  	(pc) =	sbr.rel $0x88, $3  }
0x1: {  	(tag) =	ssettag $0x0;
	lr =	simm.s32 $0x1  }
0x2: {  	[smem:$0x3F9D] =	sst lr;
	_ =	strace $0xD0000000  }
0x3: {  	_ = 	snop  }
0x4: {  	_ = 	snop  }
0x5: {  	_ = 	snop  }
0x6: {  	_ = 	snop  }
0x7: {  	_ = 	snop  }
__scs_overlays_trampoline_lowered:
0x8: {  	[smem:$0x3FAC] =	sst s0  }
0x9: {  	[smem:$0x3FAD] =	sst s1  }
0xa: {  	[smem:$0x3FAE] =	sst s2  }
0xb: {  	[smem:$0x3FAF] =	sst s3  }
0xc: {  	[smem:$0x3FB0] =	sst s4  }
0xd: {  	[smem:$0x3FB1] =	sst s5  }
0xe: {  	[smem:$0x3FB2] =	sst s6  }
0xf: {  	[smem:$0x3FB3] =	sst s7  }
0x10: {  	[smem:$0x3FB4] =	sst s8  }
0x11: {  	[smem:$0x3FB5] =	sst s9;
	s0 =	simm.s32 @!p0 $0x0  }
0x12: {  	s1 =	sld [smem:$0x3F9B];
	s0 =	simm.s32 @p0 $0x1  }
0x13: {  	[smem:$0x3FB6] =	sst s0;
	s0 =	simm.s32 @!p1 $0x0  }
0x14: {  	s2 =	sld [smem:$0x3F9A];
	s0 =	simm.s32 @p1 $0x1  }
0x15: {  	[smem:$0x3FB7] =	sst s0;
	s0 =	simm.s32 @!p2 $0x0  }
0x16: {  	s3 =	sld [smem:$0x3FDB];
	s0 =	simm.s32 @p2 $0x1  }
0x17: {  	s4 =	simm.s32 $0x1BF5;
	[smem:$0x3FB9] =	sst s0  }
0x18: {  	s0 =	sld [smem:$0x3F9C];
	_ =	swait.ge [sflag:s4], $0x0  }
0x19: {  	s7 =	sld [smem:$0x3F9D]  }
0x1a: {  	s8 =	sadd.s32 $0xFFFFE003, lr  }
0x1b: {  	s9 =	sadd.s32 $0xFFFFFEF7, lr;
	s5 =	simm.s32 $0xFFFFFFFF;
	p2 =	slt.u32 s8, $0xFFFFF086  }
0x1c: {  	p1 =	slt.u32 s9, $0xF7A;
	s5 =	simm.s32 @!p2 $0x0  }
0x1d: {  	s5 =	simm.s32 @p1 $0x1;
	p0 =	seq.s32 s7, s2  }
0x1e: {  	s7 =	smul.u32 @!p0 $0xF7A, s2;
	p2 =	seq.s32 @!p0 s5, $0x0  }
0x1f: {  	s9 =	smul.u32 $0xF7A, s1;
	s8 =	simm.s32 @!p0 $0x1BF5;
	p2 =	por !p2, p0  }
0x20: {  	[sflag:s8] =	ssyncset.s32 @!p0 $0xFFFFF086;
	s6 =	sadd.s32 @!p0 s3, s7;
	s7 =	simm.s32 @!p0 $0x108  }
0x21: {  	s3 =	sadd.s32 s3, s9;
	s6 =	sadd.s32 @!p0 $0x88, s6;
	s7 =	simm.s32 @p2 $0x1082  }
0x22: {  	[simem:s7], [sflag:s8] =	dma.local @!p0 [hbm:s6], $0xF7A  }
0x23: {  	s9 =	sor.u32 $0xD0000000, s2;
	s6 =	simm.s32 $0x108;
	_ =	swait.ge @!p0 [sflag:s8], $0x0  }
0x24: {  	s3 =	sadd.s32 $0x88, s3;
	s6 =	simm.s32 @!p1 $0x1082;
	[sflag:s4] =	ssyncset.s32 $0xFFFFF086  }
0x25: {  	[simem:s6], [sflag:s4] =	dma.local [hbm:s3], $0xF7A  }
0x26: {  	[smem:$0x3F9D] =	sst s1;
	(tag) =	ssettag s2;
	_ =	strace s9  }
0x27: {  	s1 =	sld [smem:$0x3FAD]  }
0x28: {  	s2 =	sld [smem:$0x3FAE]  }
0x29: {  	s4 =	sld [smem:$0x3FB0]  }
0x2a: {  	p0 =	seq.s32 s5, $0x0;
	s5 =	sld [smem:$0x3FB1]  }
0x2b: {  	s6 =	sld [smem:$0x3FB2]  }
0x2c: {  	s7 =	sld [smem:$0x3FB3]  }
0x2d: {  	s3 =	simm.s32 $0x108;
	s8 =	sld [smem:$0x3FB4]  }
0x2e: {  	s3 =	simm.s32 @!p0 $0x1082;
	s9 =	sld [smem:$0x3FB5]  }
0x2f: {  	lr =	sadd.s32 s0, s3;
	s0 =	sld [smem:$0x3FAC]  }
0x30: {  	s3 =	sld [smem:$0x3FAF]  }
0x31: {  	[smem:$0x3FB8] =	sst s10  }
0x32: {  	s10 =	sld [smem:$0x3FB6];
	_ =	sdelay $0x3  }
0x33: {  	p0 =	seq.s32 s10, $0x1;
	s10 =	sld [smem:$0x3FB8];
	_ =	sdelay $0x3  }
0x34: {  	[smem:$0x3FB8] =	sst s10  }
0x35: {  	s10 =	sld [smem:$0x3FB7];
	_ =	sdelay $0x3  }
0x36: {  	p1 =	seq.s32 s10, $0x1;
	s10 =	sld [smem:$0x3FB8];
	_ =	sdelay $0x3  }
0x37: {  	[smem:$0x3FB8] =	sst s10  }
0x38: {  	s10 =	sld [smem:$0x3FB9]  }
0x39: {  	_ = 	snop;
	(pc) =	sbr.ind lr, $3  }
0x3a: {  	_ = 	snop  }
0x3b: {  	_ = 	snop  }
0x3c: {  	p2 =	seq.s32 s10, $0x1;
	s10 =	sld [smem:$0x3FB8]  }
0x3d: {  	_ =	shalt  }
0x3e: {  	_ =	shalt  }
0x3f: {  	_ =	shalt  }
0x40: {  	_ =	shalt  }
0x41: {  	_ =	shalt  }
0x42: {  	_ =	shalt  }
0x43: {  	_ =	shalt  }
0x44: {  	_ =	shalt  }
0x45: {  	_ =	shalt  }
0x46: {  	_ =	shalt  }
0x47: {  	_ =	shalt  }
0x48: {  	_ =	shalt  }
0x49: {  	_ =	shalt  }
0x4a: {  	_ =	shalt  }
0x4b: {  	_ =	shalt  }
0x4c: {  	_ =	shalt  }
0x4d: {  	_ =	shalt  }
0x4e: {  	_ =	shalt  }
0x4f: {  	_ =	shalt  }
0x50: {  	_ =	shalt  }
0x51: {  	_ =	shalt  }
0x52: {  	_ =	shalt  }
0x53: {  	_ =	shalt  }
0x54: {  	_ =	shalt  }
0x55: {  	_ =	shalt  }
0x56: {  	_ =	shalt  }
0x57: {  	_ =	shalt  }
0x58: {  	_ =	shalt  }
0x59: {  	_ =	shalt  }
0x5a: {  	_ =	shalt  }
0x5b: {  	_ =	shalt  }
0x5c: {  	_ =	shalt  }
0x5d: {  	_ =	shalt  }
0x5e: {  	_ =	shalt  }
0x5f: {  	_ =	shalt  }
0x60: {  	_ =	shalt  }
0x61: {  	_ =	shalt  }
0x62: {  	_ =	shalt  }
0x63: {  	_ =	shalt  }
0x64: {  	_ =	shalt  }
0x65: {  	_ =	shalt  }
0x66: {  	_ =	shalt  }
0x67: {  	_ =	shalt  }
0x68: {  	_ =	shalt  }
0x69: {  	_ =	shalt  }
0x6a: {  	_ =	shalt  }
0x6b: {  	_ =	shalt  }
0x6c: {  	_ =	shalt  }
0x6d: {  	_ =	shalt  }
0x6e: {  	_ =	shalt  }
0x6f: {  	_ =	shalt  }
0x70: {  	_ =	shalt  }
0x71: {  	_ =	shalt  }
0x72: {  	_ =	shalt  }
0x73: {  	_ =	shalt  }
0x74: {  	_ =	shalt  }
0x75: {  	_ =	shalt  }
0x76: {  	_ =	shalt  }
0x77: {  	_ =	shalt  }
0x78: {  	_ =	shalt  }
0x79: {  	_ =	shalt  }
0x7a: {  	_ =	shalt  }
0x7b: {  	_ =	shalt  }
0x7c: {  	_ =	shalt  }
0x7d: {  	_ =	shalt  }
0x7e: {  	_ =	shalt  }
0x7f: {  	_ =	shalt  }
0x80: {  	_ =	shalt  }
0x81: {  	_ =	shalt  }
0x82: {  	_ =	shalt  }
0x83: {  	_ =	shalt  }
0x84: {  	_ =	shalt  }
0x85: {  	_ =	shalt  }
0x86: {  	_ =	shalt  }
0x87: {  	_ =	shalt  }
.Lfunc_end0:
.L_simem_size_0:
called_computation_lowered:
.L_overlay_start_0:
0x88: {  	s2 =	sld [smem:$0x3FD9]  }
0x89: {  	s3 =	sld [smem:$0x3FFE];
	_ =	sdelay $0x1  }
0x8a: {  	s1 =	srdreg.scid  }
0x8b: {  	s0 =	sand.u32 $0x1, s1  }
0x8c: {  	s17 =	sshll.u32 s0, $0xA;
	s2 =	sadd.s32 s3, s2  }
0x8d: {  	s2 =	sadd.s32 s2, s17  }
0x8e: {  	[smem:$0x3FC4] =	sst s2  }
0x8f: {  	_ = 	snop  }
0x90: {  	s2 =	sld [smem:$0x3FD0];
	(tm) =	ssettm $0x1  }
0x91: {  	s18 =	sld [smem:$0x3FFB];
	_ =	sdelay $0x3  }
0x92: {  	_ =	strace s18  }
0x93: {  	s3 =	sld [smem:$0x3FFC];
	_ =	sdelay $0x3  }
0x94: {  	_ =	strace s3  }
0x95: {  	s3 =	sld [smem:$0x3FFD];
	_ =	sdelay $0x3  }
0x96: {  	_ =	strace s3  }
0x97: {  	_ =	strace $0x8FFFFFFF  }
0x98: {  	s19 =	sld [smem:$0x3FDB];
	_ =	sdelay $0x1  }
0x99: {  	s4 =	simm.s32 $_scs_section_size  }
0x9a: {  	s5 =	simm.s32 $_size__tile_overlayer_lowered;
	s6 =	simm.s32 $_tile_overlayer_lowered  }
0x9b: {  	s22 =	simm.s32 $0x1BFF;
	s21 =	sshll.u32 s6, $0x1;
	s3 =	sadd.s32 s4, s19  }
0x9c: {  	s7 =	simm.s32 $0x0;
	s20 =	sshll.u32 s5, $0x1;
	s5 =	sadd.s32 s21, s3  }
0x9d: {  	[timem:s7], [sflag:s22] =	dma.local [hbm:s5], s20  }
0x9e: {  	_ =	swait.ge [sflag:s22], s20  }
0x9f: {  	s4 =	ssub.s32 $0x0, s20;
	[sflag:s22] =	ssyncset.done $0x0  }
0xa0: {  	[sflag:s22] =	ssyncadd.s32 s4;
	_ =	sdelay $0x1  }
0xa1: {  	s23 =	simm.s32 $0x1B8B  }
0xa2: {  	_ =	swait.ge [sflag:s23], $0x1  }
0xa3: {  	[sflag:s23] =	ssyncset.done $0x0  }
0xa4: {  	s25 =	simm.s32 $0x1B8E;
	s24 =	sld [smem:$0x3FFE];
	[sflag:s23] =	ssyncadd.s32 $0xFFFFFFFF  }
0xa5: {  	s26 =	simm.s32 $execute0_lowered;
	[smem:$0x3FD2] =	sst s25  }
0xa6: {  	s5 =	sshll.u32 s26, $0x1;
	_ =	strace $0x80000046;
	[dreg:$0x1] =	wrdreg $0xFFFFFFFF  }
0xa7: {  	s28 =	simm.s32 $_size_execute0_lowered;
	s3 =	sadd.s32 s3, s5;
	[dreg:$0x0] =	wrdreg $0x0  }
0xa8: {  	s5 =	sshll.u32 s28, $0x1;
	[dreg:$0x2] =	wrdreg s3  }
0xa9: {  	[dreg:$0x3] =	wrdreg s5  }
0xaa: {  	[dreg:$0x4] =	wrdreg $0xC0  }
0xab: {  	_ =	task [dreg:s7], $0x5FFFF  }
0xac: {  	[dreg:$0x1] =	wrdreg $0xFFFFFFFF  }
0xad: {  	[dreg:$0x0] =	wrdreg $0x60  }
0xae: {  	[dreg:$0x2] =	wrdreg s24  }
0xaf: {  	[dreg:$0x3] =	wrdreg s2  }
0xb0: {  	[dreg:$0x4] =	wrdreg $0x2000  }
0xb1: {  	[dreg:$0x5] =	wrdreg $0x9  }
0xb2: {  	_ =	task.clear_ibuf [dreg:s7], $0x6FFFF;
	_ =	strace $0x90000046  }
0xb3: {  	s29 =	simm.s32 $0x9;
	_ =	strace $0x80000048  }
0xb4: {  	_ =	swait.ge [sflag:s29], $0x1  }
0xb5: {  	[sflag:s29] =	ssyncadd.s32 $0xFFFFFFFF  }
0xb6: {  	_ =	strace $0x90000048  }
0xb7: {  	_ =	sfence  }
0xb8: {  	s30 =	sld [smem:$0x0];
	_ =	sdelay $0x2  }
0xb9: {  	s31 =	sshll.u32 s1, $0xD;
	s1 =	sshrl.u32 s1, $0x2  }
0xba: {  	s3 =	sand.u32 $0x4000, s31;
	s1 =	sadd.s32 s1, s30  }
0xbb: {  	s0 =	sor.u32 s3, s0;
	s1 =	sshll.u32 s1, $0x11  }
0xbc: {  	s0 =	sor.u32 s1, s0  }
0xbd: {  	s0 =	sadd.s32 $0x8F2B, s0  }
0xbe: {  	[sflag:s0] =	ssyncadd.remote.s32 $0x1  }
0xbf: {  	_ =	sfence.sel $0xFFFF  }
0xc0: {  	[dreg:$0x0] =	wrdreg $0xFFFFFFFF;
	(pc) =	sbr.abs _section_cstart, $3  }
0xc1: {  	[dreg:$0x1] =	wrdreg $0xFFFFFFFF  }
0xc2: {  	_ =	task.clear_ibuf [dreg:s7], $0x2FFFF;
	_ =	strace $0x9FFFFFFF  }
0xc3: {  	(tm) =	ssettm $0x7FFFFFFF  }
tec
execute0_lowered:
.L_overlay_start_1:
0x0: {  	(tag) =	ssettag $0x1  }
0x1: {  	s0 =	rddreg [dreg:$0x0]  }
0x2: {  	s2 =	rddreg [dreg:$0x1]  }
0x3: {  	s1 =	rddreg [dreg:$0x2]  }
0x4: {  	s3 =	simm.s32 $0x0;
	s13 =	stileid.u32;
	s5 =	srdreg.scid  }
0x5: {  	s28 =	simm.s32 $0xC200;
	s29 =	simm.s32 $0x1;
	s30 =	simm.s32 $0xC  }
0x6: {  	s31 =	simm.s32 $0x10200;
	[smem:$0x7FF] =	sst s3;
	s4 =	sadd.s32 $0x8E00, s0  }
0x7: {  	s5 =	sand.u32 $0x1, s5;
	s6 =	sshll.u32 s13, $0x1;
	s15 =	smul.u32 $0x190000, s13  }
0x8: {  	s7 =	sshll.u32 s13, $0xB;
	s14 =	sshll.u32 s13, $0xE;
	s18 =	smul.u32 $0xC80000, s13  }
0x9: {  	s10 =	sshll.u32 s13, $0x6;
	s21 =	smul.u32 $0x3200, s13;
	_ =	strace $0x80000047  }
0xa: {  	s8 =	ssub.s32 $0x2, s5;
	s6 =	sor.u32 s5, s6;
	s16 =	smul.u32 $0xC8000, s5  }
0xb: {  	s0 =	sadd.s32 s7, s0;
	s10 =	sor.u32 $0x1C0D, s10;
	s9 =	smul.u32 $0x1900, s6  }
0xc: {  	s12 =	sshrl.u32 s8, $0x1;
	s6 =	smul.u32 $0x640000, s6;
	s0 =	sadd.s32 $0xE00, s0  }
0xd: {  	[dreg:$0x6] =	wrdreg s10;
	s10 =	simm.s32 $0x0;
	s7 =	ssub.s32 s8, s12  }
0xe: {  	s8 =	sadd.s32 s14, s1;
	[dreg:$0x4] =	wrdreg s0;
	s12 =	smul.u32 $0x640000, s5  }
0xf: {  	s0 =	sadd.s32 s15, s2;
	s5 =	smul.u32 $0x1900, s5;
	s11 =	sadd.s32 s4, s9  }
0x10: {  	s6 =	sshrl.u32 s6, $0x3;
	s7 =	smax.u32 s7, $0x1;
	s0 =	sadd.s32 s16, s0  }
0x11: {  	s26 =	sshrl.u32 s8, $0x3;
	s8 =	simm.s32 $0x7;
	[dreg:$0x5] =	wrdreg s11  }
0x12: {  	s9 =	simm.s32 $0x8;
	s17 =	sadd.s32 $0x10, s11;
	[dreg:$0x9] =	wrdreg s7  }
0x13: {  	s11 =	sadd.s32 $0x20, s11;
	s6 =	sadd.s32 s2, s6;
	[dreg:$0xe] =	wrdreg s26  }
0x14: {  	s19 =	sadd.s32 s12, s18;
	s0 =	sadd.s32 $0x800, s0;
	[dreg:$0x7] =	wrdreg s17  }
0x15: {  	s15 =	sadd.s32 s5, s21;
	s26 =	simm.s32 $0xB;
	[dreg:$0x8] =	wrdreg s11  }
0x16: {  	s7 =	simm.s32 $0x6;
	s11 =	sadd.s32 $0xC7000, s6;
	[dreg:$0xa] =	wrdreg s0  }
0x17: {  	s20 =	sor.u32 $0x8000, s19;
	s22 =	sor.u32 $0xC000, s19;
	s23 =	sshrl.u32 s19, $0x3  }
0x18: {  	s19 =	simm.s32 $0x80;
	s0 =	sshrl.u32 s20, $0x3;
	s24 =	sshrl.u32 s22, $0x3  }
0x19: {  	s20 =	simm.s32 $0x100;
	s22 =	simm.s32 $0x4200;
	s0 =	sadd.s32 s0, s2  }
0x1a: {  	s25 =	sadd.s32 s24, s2;
	s24 =	simm.s32 $0x8200;
	[dreg:$0xb] =	wrdreg s0  }
0x1b: {  	s0 =	sadd.s32 s23, s2;
	[dreg:$0xd] =	wrdreg s25;
	s25 =	simm.s32 $0x180  }
0x1c: {  	s2 =	simm.s32 $0x4;
	[dreg:$0xc] =	wrdreg s0;
	s0 =	simm.s32 $0x2  }
.LBB2_1:
0x1d: {  	s5 =	rddreg [dreg:$0x4]  }
0x1e: {  	s6 =	rddreg [dreg:$0x6]  }
0x1f: {  	s12 =	rddreg [dreg:$0xe];
	s14 =	simm.s32 $0xD  }
0x20: {  	[spmem:s12], [sflag:s6] =	dma.local [hbm:s5], $0x800  }
0x21: {  	_ =	swait.ge [sflag:s14], $0x800  }
0x22: {  	[sflag:s14] =	ssyncset.done $0x0  }
0x23: {  	[sflag:s14] =	ssyncadd.s32 $0xFFFFF800  }
0x24: {  	[bflag:$0x0] =	sbarrier.arrive $0xFFFF  }
0x25: {  	s16 =	rddreg [dreg:$0x5]  }
0x26: {  	[tilespmem:s3], [sflag:$0x9] =	stream.linear.gather [hbm4b:s16+s3], $0x80, $0x38;
	[tilespmem:$0x14200] =	vst v63  }
0x27: {  	s17 =	rddreg [dreg:$0x7]  }
0x28: {  	[tilespmem:s19], [sflag:$0xA] =	stream.linear.gather [hbm4b:s17+s3], $0x80, $0x38;
	[tilespmem:$0x14200] =	vst v63  }
0x29: {  	s21 =	simm.s32 $0x9;
	s18 =	rddreg [dreg:$0x8]  }
0x2a: {  	[tilespmem:s20], [sflag:$0xB] =	stream.linear.gather [hbm4b:s18+s3], $0x80, $0x38;
	[tilespmem:$0x14200] =	vst v63  }
0x2b: {  	_ =	swait.ge [sflag:s21], $0x80  }
0x2c: {  	[sflag:s21] =	ssyncset.done $0x0  }
0x2d: {  	s23 =	simm.s32 $0xA;
	[sflag:s21] =	ssyncadd.s32 $0xFFFFFF80  }
0x2e: {  	[tilespmem:s22], [sflag:$0x1] =	stream.indirect.gather [spmem:s1], $0x80, s3, s19, $0xb8;
	[tilespmem:$0x14200] =	vst v63  }
0x2f: {  	_ =	swait.ge [sflag:s23], $0x80  }
0x30: {  	s16 =	rddreg [dreg:$0xd]  }
0x31: {  	s14 =	rddreg [dreg:$0xc]  }
0x32: {  	s6 =	simm.s32 $0x60;
	[sflag:s23] =	ssyncset.done $0x0;
	s17 =	rddreg [dreg:$0xb]  }
0x33: {  	s12 =	simm.s32 $0xFFFFFFFC;
	s13 =	rddreg [dreg:$0xa];
	[sflag:s23] =	ssyncadd.s32 $0xFFFFFF80  }
0x34: {  	[tilespmem:s24], [sflag:$0x2] =	stream.indirect.gather [spmem:s1], $0x80, s19, s19, $0xb8;
	[tilespmem:$0x14200] =	vst v63  }
.LBB2_2:
0x35: {  	s18 =	sadd.s32 s6, s15;
	s21 =	sadd.s32 $0xFFFFFFD0, s6  }
0x36: {  	s18 =	sadd.s32 $0xFFFFFFA0, s18;
	s21 =	sand.u32 $0x70, s21  }
0x37: {  	s18 =	sand.u32 $0xFFFFF80, s18;
	s21 =	sadd.s32 s4, s21  }
0x38: {  	p0 =	sgt.u32 s12, $0x18B;
	s18 =	sadd.s32 s18, s21  }
0x39: {  	[tilespmem:s25], [sflag:$0xC] =	stream.linear.gather [hbm4b:s18+s3], $0x80, $0x38;
	[tilespmem:$0x14200] =	vst v63  }
0x3a: {  	s18 =	simm.s32 @!p0 $0x7  }
0x3b: {  	_ =	swait.ge @!p0 [sflag:s18], $0x4000  }
0x3c: {  	[sflag:s18] =	ssyncset.done @!p0 $0x0  }
0x3d: {  	[sflag:s18] =	ssyncadd.s32 @!p0 $0xFFFFC000  }
0x3e: {  	_ =	swait.ge [sflag:s26], $0x80  }
0x3f: {  	[sflag:s26] =	ssyncset.done $0x0  }
0x40: {  	p0 =	seq.s32 s6, $0x1920;
	[sflag:s26] =	ssyncadd.s32 $0xFFFFFF80  }
0x41: {  	[tilespmem:s28], [sflag:$0x3] =	stream.indirect.gather [spmem:s1], $0x80, s20, s19, $0xb8;
	[tilespmem:$0x14200] =	vst v63  }
0x42: {  	s18 =	sadd.s32 @!p0 $0xFFFFFFE0, s6;
	p1 =	seq.s32 @!p0 s6, $0x60;
	_ =	swait.ge [sflag:s29], $0x4000  }
0x43: {  	s21 =	sadd.s32 @!p0 s15, s18;
	s18 =	sand.u32 @!p0 $0x40, s18;
	[sflag:s29] =	ssyncset.done $0x0  }
0x44: {  	s21 =	sand.u32 @!p0 $0xFFFFF80, s21;
	s18 =	sadd.s32 @!p0 s4, s18;
	[sflag:s29] =	ssyncadd.s32 $0xFFFFC000  }
0x45: {  	[hbm4b:s14+s3] =	stream.linear.scatter [tilespmem:s22], [sflag:$0x5], $0x4000, $0x38;
	[tilespmem:$0x14200] =	vst v63  }
0x46: {  	p1 =	por p0, !p1;
	s21 =	sadd.s32 @!p0 s21, s18;
	s18 =	simm.s32 @!p0 $0x0  }
0x47: {  	[tilespmem:s18], [sflag:$0x9] =	stream.linear.gather @!p0 [hbm4b:s21+s18], $0x80, $0x38;
	[tilespmem:$0x14200] =	vst v63  }
0x48: {  	_ =	swait.ge @p1 [sflag:s9], $0x4000  }
0x49: {  	[sflag:s9] =	ssyncset.done @p1 $0x0  }
0x4a: {  	[sflag:s9] =	ssyncadd.s32 @p1 $0xFFFFC000  }
0x4b: {  	_ =	swait.ge [sflag:s30], $0x80  }
0x4c: {  	[sflag:s30] =	ssyncset.done $0x0  }
0x4d: {  	[sflag:s30] =	ssyncadd.s32 $0xFFFFFF80  }
0x4e: {  	[tilespmem:s31], [sflag:$0x4] =	stream.indirect.gather [spmem:s1], $0x80, s25, s19, $0xb8;
	[tilespmem:$0x14200] =	vst v63  }
0x4f: {  	_ =	swait.ge [sflag:s0], $0x4000  }
0x50: {  	[sflag:s0] =	ssyncset.done $0x0  }
0x51: {  	s21 =	simm.s32 @p0 $0x3;
	[sflag:s0] =	ssyncadd.s32 $0xFFFFC000  }
0x52: {  	[hbm4b:s13+s3] =	stream.linear.scatter [tilespmem:s24], [sflag:$0x6], $0x4000, $0x38;
	[tilespmem:$0x14200] =	vst v63  }
0x53: {  	_ =	swait.ge @p0 [sflag:s21], $0x4000  }
0x54: {  	[sflag:s21] =	ssyncset.done @p0 $0x0  }
0x55: {  	s23 =	simm.s32 @p0 $0xC200;
	[sflag:s21] =	ssyncadd.s32 @p0 $0xFFFFC000;
	s21 =	simm.s32 @p0 $0x0  }
0x56: {  	[hbm4b:s11+s21] =	stream.linear.scatter @p0 [tilespmem:s23], [sflag:$0x7], $0x4000, $0x38;
	[tilespmem:$0x14200] =	vst v63  }
0x57: {  	s21 =	sadd.s32 @!p0 s6, s15;
	s23 =	sadd.s32 @!p0 $0xFFFFFFF0, s6  }
0x58: {  	s5 =	sadd.s32 @!p0 $0xFFFFFFF0, s21;
	s23 =	sand.u32 @!p0 $0x50, s23  }
0x59: {  	s5 =	sand.u32 @!p0 $0xFFFFF80, s5;
	s23 =	sadd.s32 @!p0 s4, s23  }
0x5a: {  	s5 =	sadd.s32 @!p0 s5, s23;
	s23 =	simm.s32 @!p0 $0x80  }
0x5b: {  	[tilespmem:s23], [sflag:$0xA] =	stream.linear.gather @!p0 [hbm4b:s5+s18], $0x80, $0x38;
	[tilespmem:$0x14200] =	vst v63  }
0x5c: {  	s5 =	simm.s32 @!p0 $0x5  }
0x5d: {  	_ =	swait.ge @!p0 [sflag:s5], $0x4000  }
0x5e: {  	[sflag:s5] =	ssyncset.done @!p0 $0x0  }
0x5f: {  	[sflag:s5] =	ssyncadd.s32 @!p0 $0xFFFFC000;
	s5 =	simm.s32 @!p0 $0x9  }
0x60: {  	_ =	swait.ge @!p0 [sflag:s5], $0x80  }
0x61: {  	[sflag:s5] =	ssyncset.done @!p0 $0x0  }
0x62: {  	[sflag:s5] =	ssyncadd.s32 @!p0 $0xFFFFFF80;
	s5 =	simm.s32 @!p0 $0x4200  }
0x63: {  	[tilespmem:s5], [sflag:$0x1] =	stream.indirect.gather @!p0 [spmem:s1], $0x80, s18, s23, $0xb8;
	[tilespmem:$0x14200] =	vst v63  }
0x64: {  	s5 =	simm.s32 @!p0 $0x3  }
0x65: {  	_ =	swait.ge @!p0 [sflag:s5], $0x4000  }
0x66: {  	[sflag:s5] =	ssyncset.done @!p0 $0x0  }
0x67: {  	[sflag:s5] =	ssyncadd.s32 @!p0 $0xFFFFC000;
	s5 =	simm.s32 @!p0 $0xC200  }
0x68: {  	[hbm4b:s17+s18] =	stream.linear.scatter @!p0 [tilespmem:s5], [sflag:$0x7], $0x4000, $0x38;
	[tilespmem:$0x14200] =	vst v63  }
0x69: {  	s5 =	sand.u32 @!p0 $0x60, s6  }
0x6a: {  	s21 =	sand.u32 @!p0 $0xFFFFF80, s21;
	s5 =	sadd.s32 @!p0 s4, s5  }
0x6b: {  	s5 =	sadd.s32 @!p0 s21, s5;
	s21 =	simm.s32 @!p0 $0x100  }
0x6c: {  	[tilespmem:s21], [sflag:$0xB] =	stream.linear.gather @!p0 [hbm4b:s5+s18], $0x80, $0x38;
	[tilespmem:$0x14200] =	vst v63  }
0x6d: {  	s5 =	simm.s32 @!p0 $0x6  }
0x6e: {  	_ =	swait.ge @!p0 [sflag:s5], $0x4000  }
0x6f: {  	[sflag:s5] =	ssyncset.done @!p0 $0x0  }
0x70: {  	[sflag:s5] =	ssyncadd.s32 @!p0 $0xFFFFC000;
	s5 =	simm.s32 @!p0 $0xA  }
0x71: {  	_ =	swait.ge @!p0 [sflag:s5], $0x80  }
0x72: {  	[sflag:s5] =	ssyncset.done @!p0 $0x0  }
0x73: {  	s6 =	sadd.s32 $0x40, s6;
	[sflag:s5] =	ssyncadd.s32 @!p0 $0xFFFFFF80;
	s5 =	simm.s32 @!p0 $0x8200  }
0x74: {  	[tilespmem:s5], [sflag:$0x2] =	stream.indirect.gather @!p0 [spmem:s1], $0x80, s23, s23, $0xb8;
	[tilespmem:$0x14200] =	vst v63  }
0x75: {  	p0 =	sne.s32 s6, $0x1960  }
.Ltmp0:
0x76: {  	_ =	swait.ge [sflag:s2], $0x4000;
	(pc) =	sbr.rel @p0 .LBB2_2-.Ltmp0, $4  }
0x77: {  	[sflag:s2] =	ssyncset.done $0x0  }
0x78: {  	s12 =	sadd.s32 $0x4, s12;
	s14 =	sadd.s32 $0x2000, s14;
	[sflag:s2] =	ssyncadd.s32 $0xFFFFC000  }
0x79: {  	[hbm4b:s16+s3] =	stream.linear.scatter [tilespmem:s31], [sflag:$0x8], $0x4000, $0x38;
	[tilespmem:$0x14200] =	vst v63  }
0x7a: {  	s13 =	sadd.s32 $0x2000, s13;
	s17 =	sadd.s32 $0x2000, s17;
	s16 =	sadd.s32 $0x2000, s16  }
0x7b: {  	s5 =	simm.s32 $0x5  }
0x7c: {  	_ =	swait.ge [sflag:s5], $0x4000  }
0x7d: {  	[sflag:s5] =	ssyncset.done $0x0  }
0x7e: {  	[sflag:s5] =	ssyncadd.s32 $0xFFFFC000  }
0x7f: {  	_ =	swait.ge [sflag:s7], $0x4000  }
0x80: {  	[sflag:s7] =	ssyncset.done $0x0  }
0x81: {  	[sflag:s7] =	ssyncadd.s32 $0xFFFFC000  }
0x82: {  	_ =	swait.ge [sflag:s8], $0x4000  }
0x83: {  	[sflag:s8] =	ssyncset.done $0x0  }
0x84: {  	[sflag:s8] =	ssyncadd.s32 $0xFFFFC000  }
0x85: {  	_ =	swait.ge [sflag:s9], $0x4000  }
0x86: {  	s10 =	sadd.s32 $0x1, s10;
	s23 =	rddreg [dreg:$0x9]  }
0x87: {  	p0 =	sne.s32 s10, s23  }
.Ltmp1:
0x88: {  	_ = 	snop;
	(pc) =	sbr.rel @p0 .LBB2_1-.Ltmp1, $3  }
0x89: {  	_ =	sdelay $0x1  }
0x8a: {  	[sflag:s9] =	ssyncset.done $0x0  }
0x8b: {  	[sflag:s9] =	ssyncadd.s32 $0xFFFFC000  }
0x8c: {  	_ =	sfence.sel $0x180000  }
0x8d: {  	[bflag:$0x0] =	sbarrier.arrive $0xFFFF  }
0x8e: {  	_ =	strace $0x90000047  }
0x8f: {  	s0 =	stileid.u32;
	[bflag:$0x2] =	sbarrier.arrive $0xFFFF  }
0x90: {  	p0 =	sne.s32 s0, $0x0;
	s0 =	rddreg [dreg:$0x3]  }
0x91: {  	s0 =	sadd.s32 @!p0 $0x100000, s0  }
0x92: {  	[sflag:s0] =	ssyncadd.tile.s32 @!p0 $0x1;
	_ =	shalt  }
.Lfunc_end2:
_tile_overlayer_lowered:
.L_overlay_start_2:
0x93: {  	(tag) =	ssettag $0x2  }
0x94: {  	s0 =	rddreg [dreg:$0x0];
	s2 =	stileid.u32  }
0x95: {  	s1 =	rddreg [dreg:$0x1];
	p0 =	sne.s32 s2, $0x0  }
0x96: {  	s3 =	rddreg [dreg:$0x2];
	[bflag:$0x3] =	sbarrier.arrive $0xFFFF;
	s2 =	simm.s32 @!p0 $0x1C0D  }
0x97: {  	[timem:s3], [sflag:s2] =	dma.local @!p0 [hbm:s0], s1  }
0x98: {  	s0 =	simm.s32 @!p0 $0xD  }
0x99: {  	_ =	swait.ge @!p0 [sflag:s0], s1  }
0x9a: {  	s1 =	ssub.s32 @!p0 $0x0, s1;
	[sflag:s0] =	ssyncset.done @!p0 $0x0  }
0x9b: {  	[sflag:s0] =	ssyncadd.s32 @!p0 s1  }
0x9c: {  	[bflag:$0x3] =	sbarrier.arrive $0xFFFF  }
0x9d: {  	_ =	shalt  }

</sc_bundles>
